<compile_context>
chip_gen: v7x
topology: tpu7x:2x2x1
jax: 0.10.2.dev20260603
libtpu: 0.0.44.dev20260713+nightly
codegen_flags: <defaults>
</compile_context>

<pallas_src>
import functools

import jax
import jax.numpy as jnp
from jax import lax
from jax.experimental import pallas as pl
from jax.experimental.pallas import tpu as pltpu
from jax.experimental.pallas import tpu_sc as plsc

NC = 2
NS = 16
NW = NC * NS
LANES = 128


def _mesh():
    return plsc.VectorSubcoreMesh(core_axis_name="c", subcore_axis_name="s")


def _make_deg_kernel(n_chunks, n_pad):
    rows_per_tile = n_pad // NS

    @functools.partial(
        pl.kernel,
        out_type=jax.ShapeDtypeStruct((NC, n_pad, 1), jnp.float32),
        mesh=_mesh(),
        compiler_params=pltpu.CompilerParams(use_tc_tiling_on_sc=False),
        scratch_types=[
            pltpu.VMEM((n_chunks, LANES), jnp.int32),
            pltpu.VMEM((LANES, 1), jnp.float32),
            pltpu.VMEM((rows_per_tile, 1), jnp.float32),
            pltpu.VMEM_SHARED((n_pad, 1), jnp.float32),
            pltpu.SemaphoreType.DMA,
            pltpu.SemaphoreType.DMA,
        ],
    )
    def deg_kernel(dst_hbm, ones_hbm, zeros_hbm, out_hbm, dstv, ones_v, zv,
                   deg_s, sem0, sem1):
        cid = lax.axis_index("c")
        sid = lax.axis_index("s")
        wid = cid * NS + sid
        r0 = sid * rows_per_tile
        pltpu.sync_copy(dst_hbm.at[wid], dstv)
        pltpu.sync_copy(ones_hbm, ones_v)
        pltpu.sync_copy(zeros_hbm.at[pl.ds(r0, rows_per_tile)], zv)
        pltpu.sync_copy(zv, deg_s.at[pl.ds(r0, rows_per_tile)])
        plsc.subcore_barrier()

        pltpu.async_copy(ones_v, deg_s.at[dstv.at[0]], sem0, add=True)

        def body(j2, carry):
            j = j2 * 2
            pltpu.async_copy(ones_v, deg_s.at[dstv.at[j + 1]], sem1, add=True)
            pltpu.make_async_copy(ones_v, deg_s.at[dstv.at[j]], sem0).wait()
            pltpu.async_copy(ones_v, deg_s.at[dstv.at[j + 2]], sem0, add=True)
            pltpu.make_async_copy(ones_v, deg_s.at[dstv.at[j + 1]], sem1).wait()
            return carry

        lax.fori_loop(0, (n_chunks - 1) // 2, body, 0)
        pltpu.make_async_copy(ones_v, deg_s.at[dstv.at[n_chunks - 1]],
                              sem0).wait()
        plsc.subcore_barrier()
        pltpu.sync_copy(deg_s.at[pl.ds(r0, rows_per_tile)], zv)
        pltpu.sync_copy(zv, out_hbm.at[cid, pl.ds(r0, rows_per_tile)])

    return deg_kernel


def _make_scatter_kernel(n_chunks, n_pad, d):
    rows_per_tile = n_pad // NS

    @functools.partial(
        pl.kernel,
        out_type=jax.ShapeDtypeStruct((NC, n_pad, d), jnp.float32),
        mesh=_mesh(),
        compiler_params=pltpu.CompilerParams(use_tc_tiling_on_sc=False),
        scratch_types=[
            pltpu.VMEM((n_chunks, LANES), jnp.int32),
            pltpu.VMEM((n_chunks, LANES), jnp.int32),
            pltpu.VMEM((LANES, d), jnp.float32),
            pltpu.VMEM((LANES, d), jnp.float32),
            pltpu.VMEM((rows_per_tile, d), jnp.float32),
            pltpu.VMEM_SHARED((n_pad, d), jnp.float32),
            pltpu.VMEM_SHARED((n_pad, d), jnp.float32),
            pltpu.SemaphoreType.DMA,
            pltpu.SemaphoreType.DMA,
        ],
    )
    def scatter_kernel(src_hbm, dst_hbm, y_hbm, zeros_hbm, out_hbm,
                       srcv, dstv, ybuf0, ybuf1, zv, tmp_s, y_s, sem0, sem1):
        cid = lax.axis_index("c")
        sid = lax.axis_index("s")
        wid = cid * NS + sid
        r0 = sid * rows_per_tile
        pltpu.sync_copy(src_hbm.at[wid], srcv)
        pltpu.sync_copy(dst_hbm.at[wid], dstv)
        pltpu.sync_copy(zeros_hbm.at[pl.ds(r0, rows_per_tile)], zv)
        pltpu.sync_copy(zv, tmp_s.at[pl.ds(r0, rows_per_tile)])
        pltpu.sync_copy(y_hbm.at[pl.ds(r0, rows_per_tile)], zv)
        pltpu.sync_copy(zv, y_s.at[pl.ds(r0, rows_per_tile)])
        plsc.subcore_barrier()

        pltpu.async_copy(y_s.at[srcv.at[0]], ybuf0, sem0)

        def body(j2, carry):
            j = j2 * 2
            pltpu.make_async_copy(y_s.at[srcv.at[j]], ybuf0, sem0).wait()
            pltpu.async_copy(y_s.at[srcv.at[j + 1]], ybuf1, sem1)
            pltpu.sync_copy(ybuf0, tmp_s.at[dstv.at[j]], add=True)
            pltpu.make_async_copy(y_s.at[srcv.at[j + 1]], ybuf1, sem1).wait()
            pltpu.async_copy(y_s.at[srcv.at[j + 2]], ybuf0, sem0)
            pltpu.sync_copy(ybuf1, tmp_s.at[dstv.at[j + 1]], add=True)
            return carry

        lax.fori_loop(0, (n_chunks - 1) // 2, body, 0)
        j_last = n_chunks - 1
        pltpu.make_async_copy(y_s.at[srcv.at[j_last]], ybuf0, sem0).wait()
        pltpu.sync_copy(ybuf0, tmp_s.at[dstv.at[j_last]], add=True)
        plsc.subcore_barrier()
        pltpu.sync_copy(tmp_s.at[pl.ds(r0, rows_per_tile)], zv)
        pltpu.sync_copy(zv, out_hbm.at[cid, pl.ds(r0, rows_per_tile)])

    return scatter_kernel


def _y_dis_tc(x, w, deg_parts, n_pad, block_rows):
    grid = n_pad // block_rows

    def body(x_ref, w_ref, d0_ref, d1_ref, y_ref, dis_ref):
        deg = d0_ref[0] + d1_ref[0] + 1.0
        dis = lax.rsqrt(deg)
        xw = jnp.dot(x_ref[...], w_ref[...], preferred_element_type=jnp.float32)
        y_ref[...] = xw * dis
        dis_ref[...] = dis

    return pl.pallas_call(
        body,
        grid=(grid,),
        in_specs=[
            pl.BlockSpec((block_rows, x.shape[1]), lambda i: (i, 0)),
            pl.BlockSpec((w.shape[0], w.shape[1]), lambda i: (0, 0)),
            pl.BlockSpec((1, block_rows, 1), lambda i: (0, i, 0)),
            pl.BlockSpec((1, block_rows, 1), lambda i: (1, i, 0)),
        ],
        out_specs=[
            pl.BlockSpec((block_rows, w.shape[1]), lambda i: (i, 0)),
            pl.BlockSpec((block_rows, 1), lambda i: (i, 0)),
        ],
        out_shape=[
            jax.ShapeDtypeStruct((n_pad, w.shape[1]), jnp.float32),
            jax.ShapeDtypeStruct((n_pad, 1), jnp.float32),
        ],
    )(x, w, deg_parts, deg_parts)


def _finish_tc(tmp_parts, y, dis, bg, wo, bo, n, block_rows):
    dh = y.shape[1]
    ncls = wo.shape[1]
    grid = n // block_rows

    def body(t0_ref, t1_ref, y_ref, dis_ref, bg_ref, wo_ref, bo_ref,
             h_ref, z_ref):
        t = t0_ref[0] + t1_ref[0] + y_ref[...]
        h = jnp.maximum(t * dis_ref[...] + bg_ref[...], 0.0)
        h_ref[...] = h
        z_ref[...] = jnp.dot(h, wo_ref[...],
                             preferred_element_type=jnp.float32) + bo_ref[...]

    return pl.pallas_call(
        body,
        grid=(grid,),
        in_specs=[
            pl.BlockSpec((1, block_rows, dh), lambda i: (0, i, 0)),
            pl.BlockSpec((1, block_rows, dh), lambda i: (1, i, 0)),
            pl.BlockSpec((block_rows, dh), lambda i: (i, 0)),
            pl.BlockSpec((block_rows, 1), lambda i: (i, 0)),
            pl.BlockSpec((1, dh), lambda i: (0, 0)),
            pl.BlockSpec((dh, ncls), lambda i: (0, 0)),
            pl.BlockSpec((1, ncls), lambda i: (0, 0)),
        ],
        out_specs=[
            pl.BlockSpec((block_rows, dh), lambda i: (i, 0)),
            pl.BlockSpec((block_rows, ncls), lambda i: (i, 0)),
        ],
        out_shape=[
            jax.ShapeDtypeStruct((n, dh), jnp.float32),
            jax.ShapeDtypeStruct((n, ncls), jnp.float32),
        ],
    )(tmp_parts, tmp_parts, y, dis, bg, wo, bo)


@jax.jit
def kernel(x, edge_index, W_gcn, b_gcn, W_out, b_out):
    n, _ = x.shape
    dh = W_gcn.shape[1]
    e = edge_index.shape[1]

    n_chunks = -(-e // (NW * LANES))
    if n_chunks % 2 == 0:
        n_chunks += 1
    e_pad = NW * n_chunks * LANES
    rows_per_tile = -(-(n + 1) // (NS * 8)) * 8
    n_pad = rows_per_tile * NS

    pad = jnp.full((e_pad - e,), n, dtype=jnp.int32)
    src_p = jnp.concatenate([edge_index[0], pad]).reshape(NW, n_chunks, LANES)
    dst_p = jnp.concatenate([edge_index[1], pad]).reshape(NW, n_chunks, LANES)

    ones_h = jnp.ones((LANES, 1), jnp.float32)
    zeros1 = jnp.zeros((n_pad, 1), jnp.float32)
    zeros3 = jnp.zeros((n_pad, dh), jnp.float32)

    deg_parts = _make_deg_kernel(n_chunks, n_pad)(dst_p, ones_h, zeros1)

    y, dis = _y_dis_tc(x, W_gcn, deg_parts, n_pad, block_rows=n_pad // 16)

    tmp_parts = _make_scatter_kernel(n_chunks, n_pad, dh)(
        src_p, dst_p, y, zeros3)

    h, z = _finish_tc(tmp_parts, y, dis,
                      b_gcn.reshape(1, dh), W_out, b_out.reshape(1, -1),
                      n, block_rows=2000)
    return (h, z)

# --- scband reference (transcript-rebuilt; emitter-appended) ---
"""Pipeline reference for scband-gcn-30983894073976 (READ-ONLY COPY).

The authoritative reference and input builder live on the scoring server;
editing this copy changes nothing except your own understanding.
"""

import jax, jax.numpy as jnp
import numpy as np

N_NODES = 10000
N_EDGES = 320000
D_FEAT = 128
D_HIDDEN = 3
N_CLASSES = 4

def setup_inputs(seed: int = 0) -> dict:
    key = jax.random.key(seed)
    k1, k2, k3, k4, k5, k6 = jax.random.split(key, 6)
    x = jax.random.normal(k1, (N_NODES, D_FEAT), dtype=jnp.float32)
    edge_index = jax.random.randint(k2, (2, N_EDGES), 0, N_NODES, dtype=jnp.int32)
    W_gcn = jax.random.normal(k3, (D_FEAT, D_HIDDEN), dtype=jnp.float32) * (1.0 / np.sqrt(D_FEAT))
    b_gcn = jnp.zeros((D_HIDDEN,), dtype=jnp.float32)
    W_out = jax.random.normal(k4, (D_HIDDEN, N_CLASSES), dtype=jnp.float32) * (1.0 / np.sqrt(D_HIDDEN))
    b_out = jnp.zeros((N_CLASSES,), dtype=jnp.float32)
    return {"x": x, "edge_index": edge_index, "W_gcn": W_gcn, "b_gcn": b_gcn, "W_out": W_out, "b_out": b_out}

def reference(x, edge_index, W_gcn, b_gcn, W_out, b_out):
    N = x.shape[0]
    src = edge_index[0]
    dst = edge_index[1]
    # GCNConv: add self-loops
    loop = jnp.arange(N, dtype=src.dtype)
    src = jnp.concatenate([src, loop])
    dst = jnp.concatenate([dst, loop])
    # symmetric normalization D^{-1/2} (A+I) D^{-1/2}
    deg = jnp.zeros((N,), dtype=x.dtype).at[dst].add(1.0)
    deg_inv_sqrt = jnp.where(deg > 0, 1.0 / jnp.sqrt(deg), 0.0)
    norm = deg_inv_sqrt[src] * deg_inv_sqrt[dst]
    # linear transform then gather messages, scale, scatter-add to dst
    xw = x @ W_gcn
    msg = xw[src] * norm[:, None]
    agg = jnp.zeros((N, xw.shape[1]), dtype=x.dtype).at[dst].add(msg)
    h = jax.nn.relu(agg + b_gcn)
    z = h @ W_out + b_out
    return (h, z)

if __name__ == "__main__":
    import jax
    _d = setup_inputs()
    print(jax.jit(kernel)(*tuple(_d.values())))

</pallas_src>

<mosaic_0001>
#map = affine_map<(d0, d1) -> (0, 0, 0)>
#map1 = affine_map<(d0, d1) -> (0, 0)>
module attributes {stable_mosaic.version = 14 : i64} {
  func.func @deg_kernel(%arg0: i32, %arg1: i32, %arg2: memref<32x79x128xi32, #tpu.memory_space<hbm>>, %arg3: memref<128x1xf32, #tpu.memory_space<hbm>>, %arg4: memref<10112x1xf32, #tpu.memory_space<hbm>>, %arg5: memref<2x10112x1xf32, #tpu.memory_space<hbm>>, %arg6: memref<79x128xi32, #tpu.memory_space<vmem>>, %arg7: memref<128x1xf32, #tpu.memory_space<vmem>>, %arg8: memref<632x1xf32, #tpu.memory_space<vmem>>, %arg9: memref<10112x1xf32, #tpu.memory_space<vmem_shared>>, %arg10: memref<!tpu.dma_semaphore, #tpu.memory_space<semaphore_mem>>, %arg11: memref<!tpu.dma_semaphore, #tpu.memory_space<semaphore_mem>>) attributes {dimension_semantics = [#tpu.dimension_semantics<core_parallel>, #tpu.dimension_semantics<subcore_parallel>], iteration_bounds = array<i64: 2, 16>, scalar_prefetch = 0 : i64, scratch_operands = 6 : i64, tpu.core_type = #tpu.core_type<sc_vector_subcore>, window_params = [{transform_indices = #map}, {transform_indices = #map1}, {transform_indices = #map1}, {transform_indices = #map}]} {
    %mul3A = arith.constant 16 : i32
    %mul3A_0 = arith.muli %arg0, %mul3A : i32
    %add3A = arith.addi %mul3A_0, %arg1 : i32
    %mul3A_1 = arith.constant 632 : i32
    %mul3A_2 = arith.muli %arg1, %mul3A_1 : i32
    "tpu.region"() ({
      %run_scoped3A = tpu.sem_alloc : memref<!tpu.dma_semaphore, #tpu.memory_space<semaphore_mem>>
      %dma_start3A_21 = arith.constant 0 : i32
      %dma_start3A_22 = arith.constant 0 : i32
      %dma_start3A_23 = tpu.memref_slice %arg2[%add3A, %dma_start3A_21, %dma_start3A_22] : memref<32x79x128xi32, #tpu.memory_space<hbm>> -> memref<1x79x128xi32, #tpu.memory_space<hbm>>
      %dma_start3A_24 = tpu.memref_squeeze %dma_start3A_23 : memref<1x79x128xi32, #tpu.memory_space<hbm>> -> memref<79x128xi32, #tpu.memory_space<hbm>>
      %dma_start3A_25 = arith.constant 0 : i32
      %dma_start3A_26 = arith.constant 0 : i32
      %dma_start3A_27 = tpu.memref_slice %arg2[%add3A, %dma_start3A_25, %dma_start3A_26] : memref<32x79x128xi32, #tpu.memory_space<hbm>> -> memref<1x79x128xi32, #tpu.memory_space<hbm>>
      %dma_start3A_28 = tpu.memref_squeeze %dma_start3A_27 : memref<1x79x128xi32, #tpu.memory_space<hbm>> -> memref<79x128xi32, #tpu.memory_space<hbm>>
      tpu.enqueue_dma source(%dma_start3A_28 : memref<79x128xi32, #tpu.memory_space<hbm>>) target(%arg6 : memref<79x128xi32, #tpu.memory_space<vmem>>) target_semaphore(%run_scoped3A : memref<!tpu.dma_semaphore, #tpu.memory_space<semaphore_mem>>)
      %dma_wait3A_29 = arith.constant 0 : i32
      %dma_wait3A_30 = arith.constant 0 : i32
      %dma_wait3A_31 = tpu.memref_slice %arg2[%add3A, %dma_wait3A_29, %dma_wait3A_30] : memref<32x79x128xi32, #tpu.memory_space<hbm>> -> memref<1x79x128xi32, #tpu.memory_space<hbm>>
      %dma_wait3A_32 = tpu.memref_squeeze %dma_wait3A_31 : memref<1x79x128xi32, #tpu.memory_space<hbm>> -> memref<79x128xi32, #tpu.memory_space<hbm>>
      %dma_wait3A_33 = arith.constant 0 : i32
      %dma_wait3A_34 = arith.constant 0 : i32
      %dma_wait3A_35 = tpu.memref_slice %arg2[%add3A, %dma_wait3A_33, %dma_wait3A_34] : memref<32x79x128xi32, #tpu.memory_space<hbm>> -> memref<1x79x128xi32, #tpu.memory_space<hbm>>
      %dma_wait3A_36 = tpu.memref_squeeze %dma_wait3A_35 : memref<1x79x128xi32, #tpu.memory_space<hbm>> -> memref<79x128xi32, #tpu.memory_space<hbm>>
      tpu.wait_dma2 semaphore(%run_scoped3A : memref<!tpu.dma_semaphore, #tpu.memory_space<semaphore_mem>>) src(%dma_wait3A_36 : memref<79x128xi32, #tpu.memory_space<hbm>>) dst(%arg6 : memref<79x128xi32, #tpu.memory_space<vmem>>)
      tpu.yield
    }) : () -> ()
    "tpu.region"() ({
      %run_scoped3A = tpu.sem_alloc : memref<!tpu.dma_semaphore, #tpu.memory_space<semaphore_mem>>
      tpu.enqueue_dma source(%arg3 : memref<128x1xf32, #tpu.memory_space<hbm>>) target(%arg7 : memref<128x1xf32, #tpu.memory_space<vmem>>) target_semaphore(%run_scoped3A : memref<!tpu.dma_semaphore, #tpu.memory_space<semaphore_mem>>)
      tpu.wait_dma2 semaphore(%run_scoped3A : memref<!tpu.dma_semaphore, #tpu.memory_space<semaphore_mem>>) src(%arg3 : memref<128x1xf32, #tpu.memory_space<hbm>>) dst(%arg7 : memref<128x1xf32, #tpu.memory_space<vmem>>)
      tpu.yield
    }) : () -> ()
    "tpu.region"() ({
      %run_scoped3A = tpu.sem_alloc : memref<!tpu.dma_semaphore, #tpu.memory_space<semaphore_mem>>
      %dma_start3A_21 = arith.constant 0 : i32
      %dma_start3A_22 = tpu.memref_slice %arg4[%mul3A_2, %dma_start3A_21] : memref<10112x1xf32, #tpu.memory_space<hbm>> -> memref<632x1xf32, #tpu.memory_space<hbm>>
      %dma_start3A_23 = arith.constant 0 : i32
      %dma_start3A_24 = tpu.memref_slice %arg4[%mul3A_2, %dma_start3A_23] : memref<10112x1xf32, #tpu.memory_space<hbm>> -> memref<632x1xf32, #tpu.memory_space<hbm>>
      tpu.enqueue_dma source(%dma_start3A_24 : memref<632x1xf32, #tpu.memory_space<hbm>>) target(%arg8 : memref<632x1xf32, #tpu.memory_space<vmem>>) target_semaphore(%run_scoped3A : memref<!tpu.dma_semaphore, #tpu.memory_space<semaphore_mem>>)
      %dma_wait3A_25 = arith.constant 0 : i32
      %dma_wait3A_26 = tpu.memref_slice %arg4[%mul3A_2, %dma_wait3A_25] : memref<10112x1xf32, #tpu.memory_space<hbm>> -> memref<632x1xf32, #tpu.memory_space<hbm>>
      %dma_wait3A_27 = arith.constant 0 : i32
      %dma_wait3A_28 = tpu.memref_slice %arg4[%mul3A_2, %dma_wait3A_27] : memref<10112x1xf32, #tpu.memory_space<hbm>> -> memref<632x1xf32, #tpu.memory_space<hbm>>
      tpu.wait_dma2 semaphore(%run_scoped3A : memref<!tpu.dma_semaphore, #tpu.memory_space<semaphore_mem>>) src(%dma_wait3A_28 : memref<632x1xf32, #tpu.memory_space<hbm>>) dst(%arg8 : memref<632x1xf32, #tpu.memory_space<vmem>>)
      tpu.yield
    }) : () -> ()
    "tpu.region"() ({
      %run_scoped3A = tpu.sem_alloc : memref<!tpu.dma_semaphore, #tpu.memory_space<semaphore_mem>>
      %dma_start3A_21 = arith.constant 0 : i32
      %dma_start3A_22 = tpu.memref_slice %arg9[%mul3A_2, %dma_start3A_21] : memref<10112x1xf32, #tpu.memory_space<vmem_shared>> -> memref<632x1xf32, #tpu.memory_space<vmem_shared>>
      %dma_start3A_23 = arith.constant 0 : i32
      %dma_start3A_24 = tpu.memref_slice %arg9[%mul3A_2, %dma_start3A_23] : memref<10112x1xf32, #tpu.memory_space<vmem_shared>> -> memref<632x1xf32, #tpu.memory_space<vmem_shared>>
      tpu.enqueue_dma source(%arg8 : memref<632x1xf32, #tpu.memory_space<vmem>>) target(%dma_start3A_24 : memref<632x1xf32, #tpu.memory_space<vmem_shared>>) target_semaphore(%run_scoped3A : memref<!tpu.dma_semaphore, #tpu.memory_space<semaphore_mem>>)
      %dma_wait3A_25 = arith.constant 0 : i32
      %dma_wait3A_26 = tpu.memref_slice %arg9[%mul3A_2, %dma_wait3A_25] : memref<10112x1xf32, #tpu.memory_space<vmem_shared>> -> memref<632x1xf32, #tpu.memory_space<vmem_shared>>
      %dma_wait3A_27 = arith.constant 0 : i32
      %dma_wait3A_28 = tpu.memref_slice %arg9[%mul3A_2, %dma_wait3A_27] : memref<10112x1xf32, #tpu.memory_space<vmem_shared>> -> memref<632x1xf32, #tpu.memory_space<vmem_shared>>
      tpu.wait_dma2 semaphore(%run_scoped3A : memref<!tpu.dma_semaphore, #tpu.memory_space<semaphore_mem>>) src(%arg8 : memref<632x1xf32, #tpu.memory_space<vmem>>) dst(%dma_wait3A_28 : memref<632x1xf32, #tpu.memory_space<vmem_shared>>)
      tpu.yield
    }) : () -> ()
    %barrier3A = arith.constant 0 : index
    tpu.barrier barrier_id(%barrier3A)
    %dma_start3A = arith.constant 0 : i32
    %dma_start3A_3 = arith.constant 0 : i32
    %dma_start3A_4 = tpu.memref_slice %arg6[%dma_start3A, %dma_start3A_3] : memref<79x128xi32, #tpu.memory_space<vmem>> -> memref<1x128xi32, #tpu.memory_space<vmem>>
    %dma_start3A_5 = tpu.memref_squeeze %dma_start3A_4 : memref<1x128xi32, #tpu.memory_space<vmem>> -> memref<128xi32, #tpu.memory_space<vmem>>
    %dma_start3A_6 = arith.constant 0 : i32
    %dma_start3A_7 = arith.constant 0 : i32
    %dma_start3A_8 = tpu.memref_slice %arg9[%dma_start3A_6, %dma_start3A_7] : memref<10112x1xf32, #tpu.memory_space<vmem_shared>> -> memref<10112x1xf32, #tpu.memory_space<vmem_shared>>
    tpu.enqueue_indirect_dma source(%arg7 : memref<128x1xf32, #tpu.memory_space<vmem>>) target(%dma_start3A_8 : memref<10112x1xf32, #tpu.memory_space<vmem_shared>>) offsets(%dma_start3A_5 : memref<128xi32, #tpu.memory_space<vmem>>) semaphore(%arg10 : memref<!tpu.dma_semaphore, #tpu.memory_space<semaphore_mem>>) {add = true}
    %scan3A = arith.constant 0 : i32
    %scan3A_9 = arith.constant 0 : i32
    %scan3A_10 = arith.constant 39 : i32
    %scan3A_11 = arith.addi %scan3A_9, %scan3A_10 : i32
    %scan3A_12 = arith.constant 1 : i32
    scf.for %scan3A_21 = %scan3A_9 to %scan3A_11 step %scan3A_12  : i32 {
      %mul3A_22 = arith.constant 2 : i32
      %mul3A_23 = arith.muli %scan3A_21, %mul3A_22 : i32
      %add3A_24 = arith.constant 1 : i32
      %add3A_25 = arith.addi %mul3A_23, %add3A_24 : i32
      %dma_start3A_26 = arith.constant 0 : i32
      %dma_start3A_27 = tpu.memref_slice %arg6[%add3A_25, %dma_start3A_26] : memref<79x128xi32, #tpu.memory_space<vmem>> -> memref<1x128xi32, #tpu.memory_space<vmem>>
      %dma_start3A_28 = tpu.memref_squeeze %dma_start3A_27 : memref<1x128xi32, #tpu.memory_space<vmem>> -> memref<128xi32, #tpu.memory_space<vmem>>
      %dma_start3A_29 = arith.constant 0 : i32
      %dma_start3A_30 = arith.constant 0 : i32
      %dma_start3A_31 = tpu.memref_slice %arg9[%dma_start3A_29, %dma_start3A_30] : memref<10112x1xf32, #tpu.memory_space<vmem_shared>> -> memref<10112x1xf32, #tpu.memory_space<vmem_shared>>
      tpu.enqueue_indirect_dma source(%arg7 : memref<128x1xf32, #tpu.memory_space<vmem>>) target(%dma_start3A_31 : memref<10112x1xf32, #tpu.memory_space<vmem_shared>>) offsets(%dma_start3A_28 : memref<128xi32, #tpu.memory_space<vmem>>) semaphore(%arg11 : memref<!tpu.dma_semaphore, #tpu.memory_space<semaphore_mem>>) {add = true}
      %dma_wait3A_32 = arith.constant 0 : i32
      %dma_wait3A_33 = tpu.memref_slice %arg6[%mul3A_23, %dma_wait3A_32] : memref<79x128xi32, #tpu.memory_space<vmem>> -> memref<1x128xi32, #tpu.memory_space<vmem>>
      %dma_wait3A_34 = tpu.memref_squeeze %dma_wait3A_33 : memref<1x128xi32, #tpu.memory_space<vmem>> -> memref<128xi32, #tpu.memory_space<vmem>>
      %dma_wait3A_35 = arith.constant 0 : i32
      %dma_wait3A_36 = arith.constant 0 : i32
      %dma_wait3A_37 = tpu.memref_slice %arg9[%dma_wait3A_35, %dma_wait3A_36] : memref<10112x1xf32, #tpu.memory_space<vmem_shared>> -> memref<10112x1xf32, #tpu.memory_space<vmem_shared>>
      tpu.wait_indirect_dma semaphore(%arg10 : memref<!tpu.dma_semaphore, #tpu.memory_space<semaphore_mem>>) src(%arg7 : memref<128x1xf32, #tpu.memory_space<vmem>>) dst(%dma_wait3A_37 : memref<10112x1xf32, #tpu.memory_space<vmem_shared>>)
      %add3A_38 = arith.constant 2 : i32
      %add3A_39 = arith.addi %mul3A_23, %add3A_38 : i32
      %dma_start3A_40 = arith.constant 0 : i32
      %dma_start3A_41 = tpu.memref_slice %arg6[%add3A_39, %dma_start3A_40] : memref<79x128xi32, #tpu.memory_space<vmem>> -> memref<1x128xi32, #tpu.memory_space<vmem>>
      %dma_start3A_42 = tpu.memref_squeeze %dma_start3A_41 : memref<1x128xi32, #tpu.memory_space<vmem>> -> memref<128xi32, #tpu.memory_space<vmem>>
      %dma_start3A_43 = arith.constant 0 : i32
      %dma_start3A_44 = arith.constant 0 : i32
      %dma_start3A_45 = tpu.memref_slice %arg9[%dma_start3A_43, %dma_start3A_44] : memref<10112x1xf32, #tpu.memory_space<vmem_shared>> -> memref<10112x1xf32, #tpu.memory_space<vmem_shared>>
      tpu.enqueue_indirect_dma source(%arg7 : memref<128x1xf32, #tpu.memory_space<vmem>>) target(%dma_start3A_45 : memref<10112x1xf32, #tpu.memory_space<vmem_shared>>) offsets(%dma_start3A_42 : memref<128xi32, #tpu.memory_space<vmem>>) semaphore(%arg10 : memref<!tpu.dma_semaphore, #tpu.memory_space<semaphore_mem>>) {add = true}
      %add3A_46 = arith.constant 1 : i32
      %add3A_47 = arith.addi %mul3A_23, %add3A_46 : i32
      %dma_wait3A_48 = arith.constant 0 : i32
      %dma_wait3A_49 = tpu.memref_slice %arg6[%add3A_47, %dma_wait3A_48] : memref<79x128xi32, #tpu.memory_space<vmem>> -> memref<1x128xi32, #tpu.memory_space<vmem>>
      %dma_wait3A_50 = tpu.memref_squeeze %dma_wait3A_49 : memref<1x128xi32, #tpu.memory_space<vmem>> -> memref<128xi32, #tpu.memory_space<vmem>>
      %dma_wait3A_51 = arith.constant 0 : i32
      %dma_wait3A_52 = arith.constant 0 : i32
      %dma_wait3A_53 = tpu.memref_slice %arg9[%dma_wait3A_51, %dma_wait3A_52] : memref<10112x1xf32, #tpu.memory_space<vmem_shared>> -> memref<10112x1xf32, #tpu.memory_space<vmem_shared>>
      tpu.wait_indirect_dma semaphore(%arg11 : memref<!tpu.dma_semaphore, #tpu.memory_space<semaphore_mem>>) src(%arg7 : memref<128x1xf32, #tpu.memory_space<vmem>>) dst(%dma_wait3A_53 : memref<10112x1xf32, #tpu.memory_space<vmem_shared>>)
    }
    %scan3A_13 = arith.constant 39 : i32
    %dma_wait3A = arith.constant 78 : i32
    %dma_wait3A_14 = arith.constant 0 : i32
    %dma_wait3A_15 = tpu.memref_slice %arg6[%dma_wait3A, %dma_wait3A_14] : memref<79x128xi32, #tpu.memory_space<vmem>> -> memref<1x128xi32, #tpu.memory_space<vmem>>
    %dma_wait3A_16 = tpu.memref_squeeze %dma_wait3A_15 : memref<1x128xi32, #tpu.memory_space<vmem>> -> memref<128xi32, #tpu.memory_space<vmem>>
    %dma_wait3A_17 = arith.constant 0 : i32
    %dma_wait3A_18 = arith.constant 0 : i32
    %dma_wait3A_19 = tpu.memref_slice %arg9[%dma_wait3A_17, %dma_wait3A_18] : memref<10112x1xf32, #tpu.memory_space<vmem_shared>> -> memref<10112x1xf32, #tpu.memory_space<vmem_shared>>
    tpu.wait_indirect_dma semaphore(%arg10 : memref<!tpu.dma_semaphore, #tpu.memory_space<semaphore_mem>>) src(%arg7 : memref<128x1xf32, #tpu.memory_space<vmem>>) dst(%dma_wait3A_19 : memref<10112x1xf32, #tpu.memory_space<vmem_shared>>)
    %barrier3A_20 = arith.constant 0 : index
    tpu.barrier barrier_id(%barrier3A_20)
    "tpu.region"() ({
      %run_scoped3A = tpu.sem_alloc : memref<!tpu.dma_semaphore, #tpu.memory_space<semaphore_mem>>
      %dma_start3A_21 = arith.constant 0 : i32
      %dma_start3A_22 = tpu.memref_slice %arg9[%mul3A_2, %dma_start3A_21] : memref<10112x1xf32, #tpu.memory_space<vmem_shared>> -> memref<632x1xf32, #tpu.memory_space<vmem_shared>>
      %dma_start3A_23 = arith.constant 0 : i32
      %dma_start3A_24 = tpu.memref_slice %arg9[%mul3A_2, %dma_start3A_23] : memref<10112x1xf32, #tpu.memory_space<vmem_shared>> -> memref<632x1xf32, #tpu.memory_space<vmem_shared>>
      tpu.enqueue_dma source(%dma_start3A_24 : memref<632x1xf32, #tpu.memory_space<vmem_shared>>) target(%arg8 : memref<632x1xf32, #tpu.memory_space<vmem>>) target_semaphore(%run_scoped3A : memref<!tpu.dma_semaphore, #tpu.memory_space<semaphore_mem>>)
      %dma_wait3A_25 = arith.constant 0 : i32
      %dma_wait3A_26 = tpu.memref_slice %arg9[%mul3A_2, %dma_wait3A_25] : memref<10112x1xf32, #tpu.memory_space<vmem_shared>> -> memref<632x1xf32, #tpu.memory_space<vmem_shared>>
      %dma_wait3A_27 = arith.constant 0 : i32
      %dma_wait3A_28 = tpu.memref_slice %arg9[%mul3A_2, %dma_wait3A_27] : memref<10112x1xf32, #tpu.memory_space<vmem_shared>> -> memref<632x1xf32, #tpu.memory_space<vmem_shared>>
      tpu.wait_dma2 semaphore(%run_scoped3A : memref<!tpu.dma_semaphore, #tpu.memory_space<semaphore_mem>>) src(%dma_wait3A_28 : memref<632x1xf32, #tpu.memory_space<vmem_shared>>) dst(%arg8 : memref<632x1xf32, #tpu.memory_space<vmem>>)
      tpu.yield
    }) : () -> ()
    "tpu.region"() ({
      %run_scoped3A = tpu.sem_alloc : memref<!tpu.dma_semaphore, #tpu.memory_space<semaphore_mem>>
      %dma_start3A_21 = arith.constant 0 : i32
      %dma_start3A_22 = tpu.memref_slice %arg5[%arg0, %mul3A_2, %dma_start3A_21] : memref<2x10112x1xf32, #tpu.memory_space<hbm>> -> memref<1x632x1xf32, #tpu.memory_space<hbm>>
      %dma_start3A_23 = tpu.memref_squeeze %dma_start3A_22 : memref<1x632x1xf32, #tpu.memory_space<hbm>> -> memref<632x1xf32, #tpu.memory_space<hbm>>
      %dma_start3A_24 = arith.constant 0 : i32
      %dma_start3A_25 = tpu.memref_slice %arg5[%arg0, %mul3A_2, %dma_start3A_24] : memref<2x10112x1xf32, #tpu.memory_space<hbm>> -> memref<1x632x1xf32, #tpu.memory_space<hbm>>
      %dma_start3A_26 = tpu.memref_squeeze %dma_start3A_25 : memref<1x632x1xf32, #tpu.memory_space<hbm>> -> memref<632x1xf32, #tpu.memory_space<hbm>>
      tpu.enqueue_dma source(%arg8 : memref<632x1xf32, #tpu.memory_space<vmem>>) target(%dma_start3A_26 : memref<632x1xf32, #tpu.memory_space<hbm>>) target_semaphore(%run_scoped3A : memref<!tpu.dma_semaphore, #tpu.memory_space<semaphore_mem>>)
      %dma_wait3A_27 = arith.constant 0 : i32
      %dma_wait3A_28 = tpu.memref_slice %arg5[%arg0, %mul3A_2, %dma_wait3A_27] : memref<2x10112x1xf32, #tpu.memory_space<hbm>> -> memref<1x632x1xf32, #tpu.memory_space<hbm>>
      %dma_wait3A_29 = tpu.memref_squeeze %dma_wait3A_28 : memref<1x632x1xf32, #tpu.memory_space<hbm>> -> memref<632x1xf32, #tpu.memory_space<hbm>>
      %dma_wait3A_30 = arith.constant 0 : i32
      %dma_wait3A_31 = tpu.memref_slice %arg5[%arg0, %mul3A_2, %dma_wait3A_30] : memref<2x10112x1xf32, #tpu.memory_space<hbm>> -> memref<1x632x1xf32, #tpu.memory_space<hbm>>
      %dma_wait3A_32 = tpu.memref_squeeze %dma_wait3A_31 : memref<1x632x1xf32, #tpu.memory_space<hbm>> -> memref<632x1xf32, #tpu.memory_space<hbm>>
      tpu.wait_dma2 semaphore(%run_scoped3A : memref<!tpu.dma_semaphore, #tpu.memory_space<semaphore_mem>>) src(%arg8 : memref<632x1xf32, #tpu.memory_space<vmem>>) dst(%dma_wait3A_32 : memref<632x1xf32, #tpu.memory_space<hbm>>)
      tpu.yield
    }) : () -> ()
    return
  }
}

#map = affine_map<(d0, d1) -> (0, 0, 0)>
#map1 = affine_map<(d0, d1) -> (0, 0)>
module attributes {stable_mosaic.version = 14 : i64} {
  func.func @scatter_kernel(%arg0: i32, %arg1: i32, %arg2: memref<32x79x128xi32, #tpu.memory_space<hbm>>, %arg3: memref<32x79x128xi32, #tpu.memory_space<hbm>>, %arg4: memref<10112x3xf32, #tpu.memory_space<hbm>>, %arg5: memref<10112x3xf32, #tpu.memory_space<hbm>>, %arg6: memref<2x10112x3xf32, #tpu.memory_space<hbm>>, %arg7: memref<79x128xi32, #tpu.memory_space<vmem>>, %arg8: memref<79x128xi32, #tpu.memory_space<vmem>>, %arg9: memref<128x3xf32, #tpu.memory_space<vmem>>, %arg10: memref<128x3xf32, #tpu.memory_space<vmem>>, %arg11: memref<632x3xf32, #tpu.memory_space<vmem>>, %arg12: memref<10112x3xf32, #tpu.memory_space<vmem_shared>>, %arg13: memref<10112x3xf32, #tpu.memory_space<vmem_shared>>, %arg14: memref<!tpu.dma_semaphore, #tpu.memory_space<semaphore_mem>>, %arg15: memref<!tpu.dma_semaphore, #tpu.memory_space<semaphore_mem>>) attributes {dimension_semantics = [#tpu.dimension_semantics<core_parallel>, #tpu.dimension_semantics<subcore_parallel>], iteration_bounds = array<i64: 2, 16>, scalar_prefetch = 0 : i64, scratch_operands = 9 : i64, tpu.core_type = #tpu.core_type<sc_vector_subcore>, window_params = [{transform_indices = #map}, {transform_indices = #map}, {transform_indices = #map1}, {transform_indices = #map1}, {transform_indices = #map}]} {
    %mul3A = arith.constant 16 : i32
    %mul3A_0 = arith.muli %arg0, %mul3A : i32
    %add3A = arith.addi %mul3A_0, %arg1 : i32
    %mul3A_1 = arith.constant 632 : i32
    %mul3A_2 = arith.muli %arg1, %mul3A_1 : i32
    "tpu.region"() ({
      %run_scoped3A_21 = tpu.sem_alloc : memref<!tpu.dma_semaphore, #tpu.memory_space<semaphore_mem>>
      %dma_start3A_22 = arith.constant 0 : i32
      %dma_start3A_23 = arith.constant 0 : i32
      %dma_start3A_24 = tpu.memref_slice %arg2[%add3A, %dma_start3A_22, %dma_start3A_23] : memref<32x79x128xi32, #tpu.memory_space<hbm>> -> memref<1x79x128xi32, #tpu.memory_space<hbm>>
      %dma_start3A_25 = tpu.memref_squeeze %dma_start3A_24 : memref<1x79x128xi32, #tpu.memory_space<hbm>> -> memref<79x128xi32, #tpu.memory_space<hbm>>
      %dma_start3A_26 = arith.constant 0 : i32
      %dma_start3A_27 = arith.constant 0 : i32
      %dma_start3A_28 = tpu.memref_slice %arg2[%add3A, %dma_start3A_26, %dma_start3A_27] : memref<32x79x128xi32, #tpu.memory_space<hbm>> -> memref<1x79x128xi32, #tpu.memory_space<hbm>>
      %dma_start3A_29 = tpu.memref_squeeze %dma_start3A_28 : memref<1x79x128xi32, #tpu.memory_space<hbm>> -> memref<79x128xi32, #tpu.memory_space<hbm>>
      tpu.enqueue_dma source(%dma_start3A_29 : memref<79x128xi32, #tpu.memory_space<hbm>>) target(%arg7 : memref<79x128xi32, #tpu.memory_space<vmem>>) target_semaphore(%run_scoped3A_21 : memref<!tpu.dma_semaphore, #tpu.memory_space<semaphore_mem>>)
      %dma_wait3A_30 = arith.constant 0 : i32
      %dma_wait3A_31 = arith.constant 0 : i32
      %dma_wait3A_32 = tpu.memref_slice %arg2[%add3A, %dma_wait3A_30, %dma_wait3A_31] : memref<32x79x128xi32, #tpu.memory_space<hbm>> -> memref<1x79x128xi32, #tpu.memory_space<hbm>>
      %dma_wait3A_33 = tpu.memref_squeeze %dma_wait3A_32 : memref<1x79x128xi32, #tpu.memory_space<hbm>> -> memref<79x128xi32, #tpu.memory_space<hbm>>
      %dma_wait3A_34 = arith.constant 0 : i32
      %dma_wait3A_35 = arith.constant 0 : i32
      %dma_wait3A_36 = tpu.memref_slice %arg2[%add3A, %dma_wait3A_34, %dma_wait3A_35] : memref<32x79x128xi32, #tpu.memory_space<hbm>> -> memref<1x79x128xi32, #tpu.memory_space<hbm>>
      %dma_wait3A_37 = tpu.memref_squeeze %dma_wait3A_36 : memref<1x79x128xi32, #tpu.memory_space<hbm>> -> memref<79x128xi32, #tpu.memory_space<hbm>>
      tpu.wait_dma2 semaphore(%run_scoped3A_21 : memref<!tpu.dma_semaphore, #tpu.memory_space<semaphore_mem>>) src(%dma_wait3A_37 : memref<79x128xi32, #tpu.memory_space<hbm>>) dst(%arg7 : memref<79x128xi32, #tpu.memory_space<vmem>>)
      tpu.yield
    }) : () -> ()
    "tpu.region"() ({
      %run_scoped3A_21 = tpu.sem_alloc : memref<!tpu.dma_semaphore, #tpu.memory_space<semaphore_mem>>
      %dma_start3A_22 = arith.constant 0 : i32
      %dma_start3A_23 = arith.constant 0 : i32
      %dma_start3A_24 = tpu.memref_slice %arg3[%add3A, %dma_start3A_22, %dma_start3A_23] : memref<32x79x128xi32, #tpu.memory_space<hbm>> -> memref<1x79x128xi32, #tpu.memory_space<hbm>>
      %dma_start3A_25 = tpu.memref_squeeze %dma_start3A_24 : memref<1x79x128xi32, #tpu.memory_space<hbm>> -> memref<79x128xi32, #tpu.memory_space<hbm>>
      %dma_start3A_26 = arith.constant 0 : i32
      %dma_start3A_27 = arith.constant 0 : i32
      %dma_start3A_28 = tpu.memref_slice %arg3[%add3A, %dma_start3A_26, %dma_start3A_27] : memref<32x79x128xi32, #tpu.memory_space<hbm>> -> memref<1x79x128xi32, #tpu.memory_space<hbm>>
      %dma_start3A_29 = tpu.memref_squeeze %dma_start3A_28 : memref<1x79x128xi32, #tpu.memory_space<hbm>> -> memref<79x128xi32, #tpu.memory_space<hbm>>
      tpu.enqueue_dma source(%dma_start3A_29 : memref<79x128xi32, #tpu.memory_space<hbm>>) target(%arg8 : memref<79x128xi32, #tpu.memory_space<vmem>>) target_semaphore(%run_scoped3A_21 : memref<!tpu.dma_semaphore, #tpu.memory_space<semaphore_mem>>)
      %dma_wait3A_30 = arith.constant 0 : i32
      %dma_wait3A_31 = arith.constant 0 : i32
      %dma_wait3A_32 = tpu.memref_slice %arg3[%add3A, %dma_wait3A_30, %dma_wait3A_31] : memref<32x79x128xi32, #tpu.memory_space<hbm>> -> memref<1x79x128xi32, #tpu.memory_space<hbm>>
      %dma_wait3A_33 = tpu.memref_squeeze %dma_wait3A_32 : memref<1x79x128xi32, #tpu.memory_space<hbm>> -> memref<79x128xi32, #tpu.memory_space<hbm>>
      %dma_wait3A_34 = arith.constant 0 : i32
      %dma_wait3A_35 = arith.constant 0 : i32
      %dma_wait3A_36 = tpu.memref_slice %arg3[%add3A, %dma_wait3A_34, %dma_wait3A_35] : memref<32x79x128xi32, #tpu.memory_space<hbm>> -> memref<1x79x128xi32, #tpu.memory_space<hbm>>
      %dma_wait3A_37 = tpu.memref_squeeze %dma_wait3A_36 : memref<1x79x128xi32, #tpu.memory_space<hbm>> -> memref<79x128xi32, #tpu.memory_space<hbm>>
      tpu.wait_dma2 semaphore(%run_scoped3A_21 : memref<!tpu.dma_semaphore, #tpu.memory_space<semaphore_mem>>) src(%dma_wait3A_37 : memref<79x128xi32, #tpu.memory_space<hbm>>) dst(%arg8 : memref<79x128xi32, #tpu.memory_space<vmem>>)
      tpu.yield
    }) : () -> ()
    "tpu.region"() ({
      %run_scoped3A_21 = tpu.sem_alloc : memref<!tpu.dma_semaphore, #tpu.memory_space<semaphore_mem>>
      %dma_start3A_22 = arith.constant 0 : i32
      %dma_start3A_23 = tpu.memref_slice %arg5[%mul3A_2, %dma_start3A_22] : memref<10112x3xf32, #tpu.memory_space<hbm>> -> memref<632x3xf32, #tpu.memory_space<hbm>>
      %dma_start3A_24 = arith.constant 0 : i32
      %dma_start3A_25 = tpu.memref_slice %arg5[%mul3A_2, %dma_start3A_24] : memref<10112x3xf32, #tpu.memory_space<hbm>> -> memref<632x3xf32, #tpu.memory_space<hbm>>
      tpu.enqueue_dma source(%dma_start3A_25 : memref<632x3xf32, #tpu.memory_space<hbm>>) target(%arg11 : memref<632x3xf32, #tpu.memory_space<vmem>>) target_semaphore(%run_scoped3A_21 : memref<!tpu.dma_semaphore, #tpu.memory_space<semaphore_mem>>)
      %dma_wait3A_26 = arith.constant 0 : i32
      %dma_wait3A_27 = tpu.memref_slice %arg5[%mul3A_2, %dma_wait3A_26] : memref<10112x3xf32, #tpu.memory_space<hbm>> -> memref<632x3xf32, #tpu.memory_space<hbm>>
      %dma_wait3A_28 = arith.constant 0 : i32
      %dma_wait3A_29 = tpu.memref_slice %arg5[%mul3A_2, %dma_wait3A_28] : memref<10112x3xf32, #tpu.memory_space<hbm>> -> memref<632x3xf32, #tpu.memory_space<hbm>>
      tpu.wait_dma2 semaphore(%run_scoped3A_21 : memref<!tpu.dma_semaphore, #tpu.memory_space<semaphore_mem>>) src(%dma_wait3A_29 : memref<632x3xf32, #tpu.memory_space<hbm>>) dst(%arg11 : memref<632x3xf32, #tpu.memory_space<vmem>>)
      tpu.yield
    }) : () -> ()
    "tpu.region"() ({
      %run_scoped3A_21 = tpu.sem_alloc : memref<!tpu.dma_semaphore, #tpu.memory_space<semaphore_mem>>
      %dma_start3A_22 = arith.constant 0 : i32
      %dma_start3A_23 = tpu.memref_slice %arg12[%mul3A_2, %dma_start3A_22] : memref<10112x3xf32, #tpu.memory_space<vmem_shared>> -> memref<632x3xf32, #tpu.memory_space<vmem_shared>>
      %dma_start3A_24 = arith.constant 0 : i32
      %dma_start3A_25 = tpu.memref_slice %arg12[%mul3A_2, %dma_start3A_24] : memref<10112x3xf32, #tpu.memory_space<vmem_shared>> -> memref<632x3xf32, #tpu.memory_space<vmem_shared>>
      tpu.enqueue_dma source(%arg11 : memref<632x3xf32, #tpu.memory_space<vmem>>) target(%dma_start3A_25 : memref<632x3xf32, #tpu.memory_space<vmem_shared>>) target_semaphore(%run_scoped3A_21 : memref<!tpu.dma_semaphore, #tpu.memory_space<semaphore_mem>>)
      %dma_wait3A_26 = arith.constant 0 : i32
      %dma_wait3A_27 = tpu.memref_slice %arg12[%mul3A_2, %dma_wait3A_26] : memref<10112x3xf32, #tpu.memory_space<vmem_shared>> -> memref<632x3xf32, #tpu.memory_space<vmem_shared>>
      %dma_wait3A_28 = arith.constant 0 : i32
      %dma_wait3A_29 = tpu.memref_slice %arg12[%mul3A_2, %dma_wait3A_28] : memref<10112x3xf32, #tpu.memory_space<vmem_shared>> -> memref<632x3xf32, #tpu.memory_space<vmem_shared>>
      tpu.wait_dma2 semaphore(%run_scoped3A_21 : memref<!tpu.dma_semaphore, #tpu.memory_space<semaphore_mem>>) src(%arg11 : memref<632x3xf32, #tpu.memory_space<vmem>>) dst(%dma_wait3A_29 : memref<632x3xf32, #tpu.memory_space<vmem_shared>>)
      tpu.yield
    }) : () -> ()
    "tpu.region"() ({
      %run_scoped3A_21 = tpu.sem_alloc : memref<!tpu.dma_semaphore, #tpu.memory_space<semaphore_mem>>
      %dma_start3A_22 = arith.constant 0 : i32
      %dma_start3A_23 = tpu.memref_slice %arg4[%mul3A_2, %dma_start3A_22] : memref<10112x3xf32, #tpu.memory_space<hbm>> -> memref<632x3xf32, #tpu.memory_space<hbm>>
      %dma_start3A_24 = arith.constant 0 : i32
      %dma_start3A_25 = tpu.memref_slice %arg4[%mul3A_2, %dma_start3A_24] : memref<10112x3xf32, #tpu.memory_space<hbm>> -> memref<632x3xf32, #tpu.memory_space<hbm>>
      tpu.enqueue_dma source(%dma_start3A_25 : memref<632x3xf32, #tpu.memory_space<hbm>>) target(%arg11 : memref<632x3xf32, #tpu.memory_space<vmem>>) target_semaphore(%run_scoped3A_21 : memref<!tpu.dma_semaphore, #tpu.memory_space<semaphore_mem>>)
      %dma_wait3A_26 = arith.constant 0 : i32
      %dma_wait3A_27 = tpu.memref_slice %arg4[%mul3A_2, %dma_wait3A_26] : memref<10112x3xf32, #tpu.memory_space<hbm>> -> memref<632x3xf32, #tpu.memory_space<hbm>>
      %dma_wait3A_28 = arith.constant 0 : i32
      %dma_wait3A_29 = tpu.memref_slice %arg4[%mul3A_2, %dma_wait3A_28] : memref<10112x3xf32, #tpu.memory_space<hbm>> -> memref<632x3xf32, #tpu.memory_space<hbm>>
      tpu.wait_dma2 semaphore(%run_scoped3A_21 : memref<!tpu.dma_semaphore, #tpu.memory_space<semaphore_mem>>) src(%dma_wait3A_29 : memref<632x3xf32, #tpu.memory_space<hbm>>) dst(%arg11 : memref<632x3xf32, #tpu.memory_space<vmem>>)
      tpu.yield
    }) : () -> ()
    "tpu.region"() ({
      %run_scoped3A_21 = tpu.sem_alloc : memref<!tpu.dma_semaphore, #tpu.memory_space<semaphore_mem>>
      %dma_start3A_22 = arith.constant 0 : i32
      %dma_start3A_23 = tpu.memref_slice %arg13[%mul3A_2, %dma_start3A_22] : memref<10112x3xf32, #tpu.memory_space<vmem_shared>> -> memref<632x3xf32, #tpu.memory_space<vmem_shared>>
      %dma_start3A_24 = arith.constant 0 : i32
      %dma_start3A_25 = tpu.memref_slice %arg13[%mul3A_2, %dma_start3A_24] : memref<10112x3xf32, #tpu.memory_space<vmem_shared>> -> memref<632x3xf32, #tpu.memory_space<vmem_shared>>
      tpu.enqueue_dma source(%arg11 : memref<632x3xf32, #tpu.memory_space<vmem>>) target(%dma_start3A_25 : memref<632x3xf32, #tpu.memory_space<vmem_shared>>) target_semaphore(%run_scoped3A_21 : memref<!tpu.dma_semaphore, #tpu.memory_space<semaphore_mem>>)
      %dma_wait3A_26 = arith.constant 0 : i32
      %dma_wait3A_27 = tpu.memref_slice %arg13[%mul3A_2, %dma_wait3A_26] : memref<10112x3xf32, #tpu.memory_space<vmem_shared>> -> memref<632x3xf32, #tpu.memory_space<vmem_shared>>
      %dma_wait3A_28 = arith.constant 0 : i32
      %dma_wait3A_29 = tpu.memref_slice %arg13[%mul3A_2, %dma_wait3A_28] : memref<10112x3xf32, #tpu.memory_space<vmem_shared>> -> memref<632x3xf32, #tpu.memory_space<vmem_shared>>
      tpu.wait_dma2 semaphore(%run_scoped3A_21 : memref<!tpu.dma_semaphore, #tpu.memory_space<semaphore_mem>>) src(%arg11 : memref<632x3xf32, #tpu.memory_space<vmem>>) dst(%dma_wait3A_29 : memref<632x3xf32, #tpu.memory_space<vmem_shared>>)
      tpu.yield
    }) : () -> ()
    %barrier3A = arith.constant 0 : index
    tpu.barrier barrier_id(%barrier3A)
    %dma_start3A = arith.constant 0 : i32
    %dma_start3A_3 = arith.constant 0 : i32
    %dma_start3A_4 = tpu.memref_slice %arg7[%dma_start3A, %dma_start3A_3] : memref<79x128xi32, #tpu.memory_space<vmem>> -> memref<1x128xi32, #tpu.memory_space<vmem>>
    %dma_start3A_5 = tpu.memref_squeeze %dma_start3A_4 : memref<1x128xi32, #tpu.memory_space<vmem>> -> memref<128xi32, #tpu.memory_space<vmem>>
    %dma_start3A_6 = arith.constant 0 : i32
    %dma_start3A_7 = arith.constant 0 : i32
    %dma_start3A_8 = tpu.memref_slice %arg13[%dma_start3A_6, %dma_start3A_7] : memref<10112x3xf32, #tpu.memory_space<vmem_shared>> -> memref<10112x3xf32, #tpu.memory_space<vmem_shared>>
    tpu.enqueue_indirect_dma source(%dma_start3A_8 : memref<10112x3xf32, #tpu.memory_space<vmem_shared>>) target(%arg9 : memref<128x3xf32, #tpu.memory_space<vmem>>) offsets(%dma_start3A_5 : memref<128xi32, #tpu.memory_space<vmem>>) semaphore(%arg14 : memref<!tpu.dma_semaphore, #tpu.memory_space<semaphore_mem>>)
    %scan3A = arith.constant 0 : i32
    %scan3A_9 = arith.constant 0 : i32
    %scan3A_10 = arith.constant 39 : i32
    %scan3A_11 = arith.addi %scan3A_9, %scan3A_10 : i32
    %scan3A_12 = arith.constant 1 : i32
    scf.for %scan3A_21 = %scan3A_9 to %scan3A_11 step %scan3A_12  : i32 {
      %mul3A_22 = arith.constant 2 : i32
      %mul3A_23 = arith.muli %scan3A_21, %mul3A_22 : i32
      %dma_wait3A_24 = arith.constant 0 : i32
      %dma_wait3A_25 = tpu.memref_slice %arg7[%mul3A_23, %dma_wait3A_24] : memref<79x128xi32, #tpu.memory_space<vmem>> -> memref<1x128xi32, #tpu.memory_space<vmem>>
      %dma_wait3A_26 = tpu.memref_squeeze %dma_wait3A_25 : memref<1x128xi32, #tpu.memory_space<vmem>> -> memref<128xi32, #tpu.memory_space<vmem>>
      %dma_wait3A_27 = arith.constant 0 : i32
      %dma_wait3A_28 = arith.constant 0 : i32
      %dma_wait3A_29 = tpu.memref_slice %arg13[%dma_wait3A_27, %dma_wait3A_28] : memref<10112x3xf32, #tpu.memory_space<vmem_shared>> -> memref<10112x3xf32, #tpu.memory_space<vmem_shared>>
      tpu.wait_indirect_dma semaphore(%arg14 : memref<!tpu.dma_semaphore, #tpu.memory_space<semaphore_mem>>) src(%dma_wait3A_29 : memref<10112x3xf32, #tpu.memory_space<vmem_shared>>) dst(%arg9 : memref<128x3xf32, #tpu.memory_space<vmem>>)
      %add3A_30 = arith.constant 1 : i32
      %add3A_31 = arith.addi %mul3A_23, %add3A_30 : i32
      %dma_start3A_32 = arith.constant 0 : i32
      %dma_start3A_33 = tpu.memref_slice %arg7[%add3A_31, %dma_start3A_32] : memref<79x128xi32, #tpu.memory_space<vmem>> -> memref<1x128xi32, #tpu.memory_space<vmem>>
      %dma_start3A_34 = tpu.memref_squeeze %dma_start3A_33 : memref<1x128xi32, #tpu.memory_space<vmem>> -> memref<128xi32, #tpu.memory_space<vmem>>
      %dma_start3A_35 = arith.constant 0 : i32
      %dma_start3A_36 = arith.constant 0 : i32
      %dma_start3A_37 = tpu.memref_slice %arg13[%dma_start3A_35, %dma_start3A_36] : memref<10112x3xf32, #tpu.memory_space<vmem_shared>> -> memref<10112x3xf32, #tpu.memory_space<vmem_shared>>
      tpu.enqueue_indirect_dma source(%dma_start3A_37 : memref<10112x3xf32, #tpu.memory_space<vmem_shared>>) target(%arg10 : memref<128x3xf32, #tpu.memory_space<vmem>>) offsets(%dma_start3A_34 : memref<128xi32, #tpu.memory_space<vmem>>) semaphore(%arg15 : memref<!tpu.dma_semaphore, #tpu.memory_space<semaphore_mem>>)
      "tpu.region"() ({
        %run_scoped3A_56 = tpu.sem_alloc : memref<!tpu.dma_semaphore, #tpu.memory_space<semaphore_mem>>
        %dma_start3A_57 = arith.constant 0 : i32
        %dma_start3A_58 = tpu.memref_slice %arg8[%mul3A_23, %dma_start3A_57] : memref<79x128xi32, #tpu.memory_space<vmem>> -> memref<1x128xi32, #tpu.memory_space<vmem>>
        %dma_start3A_59 = tpu.memref_squeeze %dma_start3A_58 : memref<1x128xi32, #tpu.memory_space<vmem>> -> memref<128xi32, #tpu.memory_space<vmem>>
        %dma_start3A_60 = arith.constant 0 : i32
        %dma_start3A_61 = arith.constant 0 : i32
        %dma_start3A_62 = tpu.memref_slice %arg12[%dma_start3A_60, %dma_start3A_61] : memref<10112x3xf32, #tpu.memory_space<vmem_shared>> -> memref<10112x3xf32, #tpu.memory_space<vmem_shared>>
        tpu.enqueue_indirect_dma source(%arg9 : memref<128x3xf32, #tpu.memory_space<vmem>>) target(%dma_start3A_62 : memref<10112x3xf32, #tpu.memory_space<vmem_shared>>) offsets(%dma_start3A_59 : memref<128xi32, #tpu.memory_space<vmem>>) semaphore(%run_scoped3A_56 : memref<!tpu.dma_semaphore, #tpu.memory_space<semaphore_mem>>) {add = true}
        %dma_wait3A_63 = arith.constant 0 : i32
        %dma_wait3A_64 = tpu.memref_slice %arg8[%mul3A_23, %dma_wait3A_63] : memref<79x128xi32, #tpu.memory_space<vmem>> -> memref<1x128xi32, #tpu.memory_space<vmem>>
        %dma_wait3A_65 = tpu.memref_squeeze %dma_wait3A_64 : memref<1x128xi32, #tpu.memory_space<vmem>> -> memref<128xi32, #tpu.memory_space<vmem>>
        %dma_wait3A_66 = arith.constant 0 : i32
        %dma_wait3A_67 = arith.constant 0 : i32
        %dma_wait3A_68 = tpu.memref_slice %arg12[%dma_wait3A_66, %dma_wait3A_67] : memref<10112x3xf32, #tpu.memory_space<vmem_shared>> -> memref<10112x3xf32, #tpu.memory_space<vmem_shared>>
        tpu.wait_indirect_dma semaphore(%run_scoped3A_56 : memref<!tpu.dma_semaphore, #tpu.memory_space<semaphore_mem>>) src(%arg9 : memref<128x3xf32, #tpu.memory_space<vmem>>) dst(%dma_wait3A_68 : memref<10112x3xf32, #tpu.memory_space<vmem_shared>>)
        tpu.yield
      }) : () -> ()
      %add3A_38 = arith.constant 1 : i32
      %add3A_39 = arith.addi %mul3A_23, %add3A_38 : i32
      %dma_wait3A_40 = arith.constant 0 : i32
      %dma_wait3A_41 = tpu.memref_slice %arg7[%add3A_39, %dma_wait3A_40] : memref<79x128xi32, #tpu.memory_space<vmem>> -> memref<1x128xi32, #tpu.memory_space<vmem>>
      %dma_wait3A_42 = tpu.memref_squeeze %dma_wait3A_41 : memref<1x128xi32, #tpu.memory_space<vmem>> -> memref<128xi32, #tpu.memory_space<vmem>>
      %dma_wait3A_43 = arith.constant 0 : i32
      %dma_wait3A_44 = arith.constant 0 : i32
      %dma_wait3A_45 = tpu.memref_slice %arg13[%dma_wait3A_43, %dma_wait3A_44] : memref<10112x3xf32, #tpu.memory_space<vmem_shared>> -> memref<10112x3xf32, #tpu.memory_space<vmem_shared>>
      tpu.wait_indirect_dma semaphore(%arg15 : memref<!tpu.dma_semaphore, #tpu.memory_space<semaphore_mem>>) src(%dma_wait3A_45 : memref<10112x3xf32, #tpu.memory_space<vmem_shared>>) dst(%arg10 : memref<128x3xf32, #tpu.memory_space<vmem>>)
      %add3A_46 = arith.constant 2 : i32
      %add3A_47 = arith.addi %mul3A_23, %add3A_46 : i32
      %dma_start3A_48 = arith.constant 0 : i32
      %dma_start3A_49 = tpu.memref_slice %arg7[%add3A_47, %dma_start3A_48] : memref<79x128xi32, #tpu.memory_space<vmem>> -> memref<1x128xi32, #tpu.memory_space<vmem>>
      %dma_start3A_50 = tpu.memref_squeeze %dma_start3A_49 : memref<1x128xi32, #tpu.memory_space<vmem>> -> memref<128xi32, #tpu.memory_space<vmem>>
      %dma_start3A_51 = arith.constant 0 : i32
      %dma_start3A_52 = arith.constant 0 : i32
      %dma_start3A_53 = tpu.memref_slice %arg13[%dma_start3A_51, %dma_start3A_52] : memref<10112x3xf32, #tpu.memory_space<vmem_shared>> -> memref<10112x3xf32, #tpu.memory_space<vmem_shared>>
      tpu.enqueue_indirect_dma source(%dma_start3A_53 : memref<10112x3xf32, #tpu.memory_space<vmem_shared>>) target(%arg9 : memref<128x3xf32, #tpu.memory_space<vmem>>) offsets(%dma_start3A_50 : memref<128xi32, #tpu.memory_space<vmem>>) semaphore(%arg14 : memref<!tpu.dma_semaphore, #tpu.memory_space<semaphore_mem>>)
      %add3A_54 = arith.constant 1 : i32
      %add3A_55 = arith.addi %mul3A_23, %add3A_54 : i32
      "tpu.region"() ({
        %run_scoped3A_56 = tpu.sem_alloc : memref<!tpu.dma_semaphore, #tpu.memory_space<semaphore_mem>>
        %dma_start3A_57 = arith.constant 0 : i32
        %dma_start3A_58 = tpu.memref_slice %arg8[%add3A_55, %dma_start3A_57] : memref<79x128xi32, #tpu.memory_space<vmem>> -> memref<1x128xi32, #tpu.memory_space<vmem>>
        %dma_start3A_59 = tpu.memref_squeeze %dma_start3A_58 : memref<1x128xi32, #tpu.memory_space<vmem>> -> memref<128xi32, #tpu.memory_space<vmem>>
        %dma_start3A_60 = arith.constant 0 : i32
        %dma_start3A_61 = arith.constant 0 : i32
        %dma_start3A_62 = tpu.memref_slice %arg12[%dma_start3A_60, %dma_start3A_61] : memref<10112x3xf32, #tpu.memory_space<vmem_shared>> -> memref<10112x3xf32, #tpu.memory_space<vmem_shared>>
        tpu.enqueue_indirect_dma source(%arg10 : memref<128x3xf32, #tpu.memory_space<vmem>>) target(%dma_start3A_62 : memref<10112x3xf32, #tpu.memory_space<vmem_shared>>) offsets(%dma_start3A_59 : memref<128xi32, #tpu.memory_space<vmem>>) semaphore(%run_scoped3A_56 : memref<!tpu.dma_semaphore, #tpu.memory_space<semaphore_mem>>) {add = true}
        %dma_wait3A_63 = arith.constant 0 : i32
        %dma_wait3A_64 = tpu.memref_slice %arg8[%add3A_55, %dma_wait3A_63] : memref<79x128xi32, #tpu.memory_space<vmem>> -> memref<1x128xi32, #tpu.memory_space<vmem>>
        %dma_wait3A_65 = tpu.memref_squeeze %dma_wait3A_64 : memref<1x128xi32, #tpu.memory_space<vmem>> -> memref<128xi32, #tpu.memory_space<vmem>>
        %dma_wait3A_66 = arith.constant 0 : i32
        %dma_wait3A_67 = arith.constant 0 : i32
        %dma_wait3A_68 = tpu.memref_slice %arg12[%dma_wait3A_66, %dma_wait3A_67] : memref<10112x3xf32, #tpu.memory_space<vmem_shared>> -> memref<10112x3xf32, #tpu.memory_space<vmem_shared>>
        tpu.wait_indirect_dma semaphore(%run_scoped3A_56 : memref<!tpu.dma_semaphore, #tpu.memory_space<semaphore_mem>>) src(%arg10 : memref<128x3xf32, #tpu.memory_space<vmem>>) dst(%dma_wait3A_68 : memref<10112x3xf32, #tpu.memory_space<vmem_shared>>)
        tpu.yield
      }) : () -> ()
    }
    %scan3A_13 = arith.constant 39 : i32
    %dma_wait3A = arith.constant 78 : i32
    %dma_wait3A_14 = arith.constant 0 : i32
    %dma_wait3A_15 = tpu.memref_slice %arg7[%dma_wait3A, %dma_wait3A_14] : memref<79x128xi32, #tpu.memory_space<vmem>> -> memref<1x128xi32, #tpu.memory_space<vmem>>
    %dma_wait3A_16 = tpu.memref_squeeze %dma_wait3A_15 : memref<1x128xi32, #tpu.memory_space<vmem>> -> memref<128xi32, #tpu.memory_space<vmem>>
    %dma_wait3A_17 = arith.constant 0 : i32
    %dma_wait3A_18 = arith.constant 0 : i32
    %dma_wait3A_19 = tpu.memref_slice %arg13[%dma_wait3A_17, %dma_wait3A_18] : memref<10112x3xf32, #tpu.memory_space<vmem_shared>> -> memref<10112x3xf32, #tpu.memory_space<vmem_shared>>
    tpu.wait_indirect_dma semaphore(%arg14 : memref<!tpu.dma_semaphore, #tpu.memory_space<semaphore_mem>>) src(%dma_wait3A_19 : memref<10112x3xf32, #tpu.memory_space<vmem_shared>>) dst(%arg9 : memref<128x3xf32, #tpu.memory_space<vmem>>)
    %run_scoped3A = arith.constant 78 : i32
    "tpu.region"() ({
      %run_scoped3A_21 = tpu.sem_alloc : memref<!tpu.dma_semaphore, #tpu.memory_space<semaphore_mem>>
      %dma_start3A_22 = arith.constant 0 : i32
      %dma_start3A_23 = tpu.memref_slice %arg8[%run_scoped3A, %dma_start3A_22] : memref<79x128xi32, #tpu.memory_space<vmem>> -> memref<1x128xi32, #tpu.memory_space<vmem>>
      %dma_start3A_24 = tpu.memref_squeeze %dma_start3A_23 : memref<1x128xi32, #tpu.memory_space<vmem>> -> memref<128xi32, #tpu.memory_space<vmem>>
      %dma_start3A_25 = arith.constant 0 : i32
      %dma_start3A_26 = arith.constant 0 : i32
      %dma_start3A_27 = tpu.memref_slice %arg12[%dma_start3A_25, %dma_start3A_26] : memref<10112x3xf32, #tpu.memory_space<vmem_shared>> -> memref<10112x3xf32, #tpu.memory_space<vmem_shared>>
      tpu.enqueue_indirect_dma source(%arg9 : memref<128x3xf32, #tpu.memory_space<vmem>>) target(%dma_start3A_27 : memref<10112x3xf32, #tpu.memory_space<vmem_shared>>) offsets(%dma_start3A_24 : memref<128xi32, #tpu.memory_space<vmem>>) semaphore(%run_scoped3A_21 : memref<!tpu.dma_semaphore, #tpu.memory_space<semaphore_mem>>) {add = true}
      %dma_wait3A_28 = arith.constant 0 : i32
      %dma_wait3A_29 = tpu.memref_slice %arg8[%run_scoped3A, %dma_wait3A_28] : memref<79x128xi32, #tpu.memory_space<vmem>> -> memref<1x128xi32, #tpu.memory_space<vmem>>
      %dma_wait3A_30 = tpu.memref_squeeze %dma_wait3A_29 : memref<1x128xi32, #tpu.memory_space<vmem>> -> memref<128xi32, #tpu.memory_space<vmem>>
      %dma_wait3A_31 = arith.constant 0 : i32
      %dma_wait3A_32 = arith.constant 0 : i32
      %dma_wait3A_33 = tpu.memref_slice %arg12[%dma_wait3A_31, %dma_wait3A_32] : memref<10112x3xf32, #tpu.memory_space<vmem_shared>> -> memref<10112x3xf32, #tpu.memory_space<vmem_shared>>
      tpu.wait_indirect_dma semaphore(%run_scoped3A_21 : memref<!tpu.dma_semaphore, #tpu.memory_space<semaphore_mem>>) src(%arg9 : memref<128x3xf32, #tpu.memory_space<vmem>>) dst(%dma_wait3A_33 : memref<10112x3xf32, #tpu.memory_space<vmem_shared>>)
      tpu.yield
    }) : () -> ()
    %barrier3A_20 = arith.constant 0 : index
    tpu.barrier barrier_id(%barrier3A_20)
    "tpu.region"() ({
      %run_scoped3A_21 = tpu.sem_alloc : memref<!tpu.dma_semaphore, #tpu.memory_space<semaphore_mem>>
      %dma_start3A_22 = arith.constant 0 : i32
      %dma_start3A_23 = tpu.memref_slice %arg12[%mul3A_2, %dma_start3A_22] : memref<10112x3xf32, #tpu.memory_space<vmem_shared>> -> memref<632x3xf32, #tpu.memory_space<vmem_shared>>
      %dma_start3A_24 = arith.constant 0 : i32
      %dma_start3A_25 = tpu.memref_slice %arg12[%mul3A_2, %dma_start3A_24] : memref<10112x3xf32, #tpu.memory_space<vmem_shared>> -> memref<632x3xf32, #tpu.memory_space<vmem_shared>>
      tpu.enqueue_dma source(%dma_start3A_25 : memref<632x3xf32, #tpu.memory_space<vmem_shared>>) target(%arg11 : memref<632x3xf32, #tpu.memory_space<vmem>>) target_semaphore(%run_scoped3A_21 : memref<!tpu.dma_semaphore, #tpu.memory_space<semaphore_mem>>)
      %dma_wait3A_26 = arith.constant 0 : i32
      %dma_wait3A_27 = tpu.memref_slice %arg12[%mul3A_2, %dma_wait3A_26] : memref<10112x3xf32, #tpu.memory_space<vmem_shared>> -> memref<632x3xf32, #tpu.memory_space<vmem_shared>>
      %dma_wait3A_28 = arith.constant 0 : i32
      %dma_wait3A_29 = tpu.memref_slice %arg12[%mul3A_2, %dma_wait3A_28] : memref<10112x3xf32, #tpu.memory_space<vmem_shared>> -> memref<632x3xf32, #tpu.memory_space<vmem_shared>>
      tpu.wait_dma2 semaphore(%run_scoped3A_21 : memref<!tpu.dma_semaphore, #tpu.memory_space<semaphore_mem>>) src(%dma_wait3A_29 : memref<632x3xf32, #tpu.memory_space<vmem_shared>>) dst(%arg11 : memref<632x3xf32, #tpu.memory_space<vmem>>)
      tpu.yield
    }) : () -> ()
    "tpu.region"() ({
      %run_scoped3A_21 = tpu.sem_alloc : memref<!tpu.dma_semaphore, #tpu.memory_space<semaphore_mem>>
      %dma_start3A_22 = arith.constant 0 : i32
      %dma_start3A_23 = tpu.memref_slice %arg6[%arg0, %mul3A_2, %dma_start3A_22] : memref<2x10112x3xf32, #tpu.memory_space<hbm>> -> memref<1x632x3xf32, #tpu.memory_space<hbm>>
      %dma_start3A_24 = tpu.memref_squeeze %dma_start3A_23 : memref<1x632x3xf32, #tpu.memory_space<hbm>> -> memref<632x3xf32, #tpu.memory_space<hbm>>
      %dma_start3A_25 = arith.constant 0 : i32
      %dma_start3A_26 = tpu.memref_slice %arg6[%arg0, %mul3A_2, %dma_start3A_25] : memref<2x10112x3xf32, #tpu.memory_space<hbm>> -> memref<1x632x3xf32, #tpu.memory_space<hbm>>
      %dma_start3A_27 = tpu.memref_squeeze %dma_start3A_26 : memref<1x632x3xf32, #tpu.memory_space<hbm>> -> memref<632x3xf32, #tpu.memory_space<hbm>>
      tpu.enqueue_dma source(%arg11 : memref<632x3xf32, #tpu.memory_space<vmem>>) target(%dma_start3A_27 : memref<632x3xf32, #tpu.memory_space<hbm>>) target_semaphore(%run_scoped3A_21 : memref<!tpu.dma_semaphore, #tpu.memory_space<semaphore_mem>>)
      %dma_wait3A_28 = arith.constant 0 : i32
      %dma_wait3A_29 = tpu.memref_slice %arg6[%arg0, %mul3A_2, %dma_wait3A_28] : memref<2x10112x3xf32, #tpu.memory_space<hbm>> -> memref<1x632x3xf32, #tpu.memory_space<hbm>>
      %dma_wait3A_30 = tpu.memref_squeeze %dma_wait3A_29 : memref<1x632x3xf32, #tpu.memory_space<hbm>> -> memref<632x3xf32, #tpu.memory_space<hbm>>
      %dma_wait3A_31 = arith.constant 0 : i32
      %dma_wait3A_32 = tpu.memref_slice %arg6[%arg0, %mul3A_2, %dma_wait3A_31] : memref<2x10112x3xf32, #tpu.memory_space<hbm>> -> memref<1x632x3xf32, #tpu.memory_space<hbm>>
      %dma_wait3A_33 = tpu.memref_squeeze %dma_wait3A_32 : memref<1x632x3xf32, #tpu.memory_space<hbm>> -> memref<632x3xf32, #tpu.memory_space<hbm>>
      tpu.wait_dma2 semaphore(%run_scoped3A_21 : memref<!tpu.dma_semaphore, #tpu.memory_space<semaphore_mem>>) src(%arg11 : memref<632x3xf32, #tpu.memory_space<vmem>>) dst(%dma_wait3A_33 : memref<632x3xf32, #tpu.memory_space<hbm>>)
      tpu.yield
    }) : () -> ()
    return
  }
}

module attributes {stable_mosaic.version = 14 : i64} {
  func.func @body(%arg0: i32, %arg1: memref<632x128xf32, #tpu.memory_space<vmem>>, %arg2: memref<128x3xf32, #tpu.memory_space<vmem>>, %arg3: memref<1x632x1xf32, #tpu.memory_space<vmem>>, %arg4: memref<1x632x1xf32, #tpu.memory_space<vmem>>, %arg5: memref<632x3xf32, #tpu.memory_space<vmem>>, %arg6: memref<632x1xf32, #tpu.memory_space<vmem>>) attributes {dimension_semantics = [#tpu.dimension_semantics<arbitrary>], iteration_bounds = array<i64: 16>, scalar_prefetch = 0 : i64, scratch_operands = 0 : i64, tpu.core_type = #tpu.core_type<tc>, window_params = [{transform_indices = @transform_0, window_bounds = array<i64: 632, 128>}, {pipeline_mode = #tpu.pipeline_mode<synchronous>, transform_indices = @transform_1, window_bounds = array<i64: 128, 3>}, {transform_indices = @transform_2, window_bounds = array<i64: 1, 632, 1>}, {transform_indices = @transform_3, window_bounds = array<i64: 1, 632, 1>}, {transform_indices = @transform_4, window_bounds = array<i64: 632, 3>}, {transform_indices = @transform_5, window_bounds = array<i64: 632, 1>}]} {
    %get3A = arith.constant 0 : index
    %get3A_0 = arith.constant 0 : index
    %get3A_1 = arith.constant 0 : index
    %get3A_2 = vector.load %arg3[%get3A, %get3A_0, %get3A_1] : memref<1x632x1xf32, #tpu.memory_space<vmem>>, vector<1x632x1xf32>
    %get3A_3 = vector.shape_cast %get3A_2 : vector<1x632x1xf32> to vector<632x1xf32>
    %get3A_4 = arith.constant 0 : index
    %get3A_5 = arith.constant 0 : index
    %get3A_6 = arith.constant 0 : index
    %get3A_7 = vector.load %arg4[%get3A_4, %get3A_5, %get3A_6] : memref<1x632x1xf32, #tpu.memory_space<vmem>>, vector<1x632x1xf32>
    %get3A_8 = vector.shape_cast %get3A_7 : vector<1x632x1xf32> to vector<632x1xf32>
    %add3A = arith.addf %get3A_3, %get3A_8 : vector<632x1xf32>
    %add3A_9 = arith.constant 1.000000e+00 : f32
    %add3A_10 = vector.broadcast %add3A_9 : f32 to vector<632x1xf32>
    %add3A_11 = arith.addf %add3A, %add3A_10 : vector<632x1xf32>
    %rsqrt3A = math.rsqrt %add3A_11 : vector<632x1xf32>
    %get3A_12 = arith.constant 0 : index
    %get3A_13 = arith.constant 0 : index
    %get3A_14 = vector.load %arg1[%get3A_12, %get3A_13] : memref<632x128xf32, #tpu.memory_space<vmem>>, vector<632x128xf32>
    %get3A_15 = arith.constant 0 : index
    %get3A_16 = arith.constant 0 : index
    %get3A_17 = vector.load %arg2[%get3A_15, %get3A_16] : memref<128x3xf32, #tpu.memory_space<vmem>>, vector<128x3xf32>
    %dot_general3A = arith.constant dense<0.000000e+00> : vector<632x3xf32>
    %dot_general3A_18 = tpu.matmul %get3A_14, %get3A_17, %dot_general3A {dimension_numbers = #tpu.dot_dimension_numbers<[1], [0], [0], [1], [0, 0, 1, 1], [], []>, transpose_lhs_hint = false} : vector<632x128xf32>, vector<128x3xf32>, vector<632x3xf32> -> vector<632x3xf32>
    %mul3A = vector.broadcast %rsqrt3A : vector<632x1xf32> to vector<632x3xf32>
    %mul3A_19 = arith.mulf %dot_general3A_18, %mul3A : vector<632x3xf32>
    %swap3A = arith.constant 0 : index
    %swap3A_20 = arith.constant 0 : index
    %swap3A_21 = vector.load %arg5[%swap3A, %swap3A_20] : memref<632x3xf32, #tpu.memory_space<vmem>>, vector<632x3xf32>
    tpu.vector_store %arg5[%swap3A, %swap3A_20], %mul3A_19 {strides = array<i32>} : memref<632x3xf32, #tpu.memory_space<vmem>>, vector<632x3xf32>,
    %swap3A_22 = arith.constant 0 : index
    %swap3A_23 = arith.constant 0 : index
    %swap3A_24 = vector.load %arg6[%swap3A_22, %swap3A_23] : memref<632x1xf32, #tpu.memory_space<vmem>>, vector<632x1xf32>
    tpu.vector_store %arg6[%swap3A_22, %swap3A_23], %rsqrt3A {strides = array<i32>} : memref<632x1xf32, #tpu.memory_space<vmem>>, vector<632x1xf32>,
    return
  }
  func.func @transform_0(%arg0: i32) -> (i32, i32) {
    %c0_i32 = arith.constant 0 : i32
    %c0_i32_0 = arith.constant 0 : i32
    return %arg0, %c0_i32 : i32, i32
  }
  func.func @transform_1(%arg0: i32) -> (i32, i32) {
    %c0_i32 = arith.constant 0 : i32
    %c0_i32_0 = arith.constant 0 : i32
    %c0_i32_1 = arith.constant 0 : i32
    return %c0_i32, %c0_i32_0 : i32, i32
  }
  func.func @transform_2(%arg0: i32) -> (i32, i32, i32) {
    %c0_i32 = arith.constant 0 : i32
    %c0_i32_0 = arith.constant 0 : i32
    %c0_i32_1 = arith.constant 0 : i32
    return %c0_i32, %arg0, %c0_i32_0 : i32, i32, i32
  }
  func.func @transform_3(%arg0: i32) -> (i32, i32, i32) {
    %c1_i32 = arith.constant 1 : i32
    %c0_i32 = arith.constant 0 : i32
    %c0_i32_0 = arith.constant 0 : i32
    return %c1_i32, %arg0, %c0_i32 : i32, i32, i32
  }
  func.func @transform_4(%arg0: i32) -> (i32, i32) {
    %c0_i32 = arith.constant 0 : i32
    %c0_i32_0 = arith.constant 0 : i32
    return %arg0, %c0_i32 : i32, i32
  }
  func.func @transform_5(%arg0: i32) -> (i32, i32) {
    %c0_i32 = arith.constant 0 : i32
    %c0_i32_0 = arith.constant 0 : i32
    return %arg0, %c0_i32 : i32, i32
  }
}

module attributes {stable_mosaic.version = 14 : i64} {
  func.func @body(%arg0: i32, %arg1: memref<1x2000x3xf32, #tpu.memory_space<vmem>>, %arg2: memref<1x2000x3xf32, #tpu.memory_space<vmem>>, %arg3: memref<2000x3xf32, #tpu.memory_space<vmem>>, %arg4: memref<2000x1xf32, #tpu.memory_space<vmem>>, %arg5: memref<1x3xf32, #tpu.memory_space<vmem>>, %arg6: memref<3x4xf32, #tpu.memory_space<vmem>>, %arg7: memref<1x4xf32, #tpu.memory_space<vmem>>, %arg8: memref<2000x3xf32, #tpu.memory_space<vmem>>, %arg9: memref<2000x4xf32, #tpu.memory_space<vmem>>) attributes {dimension_semantics = [#tpu.dimension_semantics<arbitrary>], iteration_bounds = array<i64: 5>, scalar_prefetch = 0 : i64, scratch_operands = 0 : i64, tpu.core_type = #tpu.core_type<tc>, window_params = [{transform_indices = @transform_0, window_bounds = array<i64: 1, 2000, 3>}, {transform_indices = @transform_1, window_bounds = array<i64: 1, 2000, 3>}, {transform_indices = @transform_2, window_bounds = array<i64: 2000, 3>}, {transform_indices = @transform_3, window_bounds = array<i64: 2000, 1>}, {pipeline_mode = #tpu.pipeline_mode<synchronous>, transform_indices = @transform_4, window_bounds = array<i64: 1, 3>}, {pipeline_mode = #tpu.pipeline_mode<synchronous>, transform_indices = @transform_5, window_bounds = array<i64: 3, 4>}, {pipeline_mode = #tpu.pipeline_mode<synchronous>, transform_indices = @transform_6, window_bounds = array<i64: 1, 4>}, {transform_indices = @transform_7, window_bounds = array<i64: 2000, 3>}, {transform_indices = @transform_8, window_bounds = array<i64: 2000, 4>}]} {
    %get3A = arith.constant 0 : index
    %get3A_0 = arith.constant 0 : index
    %get3A_1 = arith.constant 0 : index
    %get3A_2 = vector.load %arg1[%get3A, %get3A_0, %get3A_1] : memref<1x2000x3xf32, #tpu.memory_space<vmem>>, vector<1x2000x3xf32>
    %get3A_3 = vector.shape_cast %get3A_2 : vector<1x2000x3xf32> to vector<2000x3xf32>
    %get3A_4 = arith.constant 0 : index
    %get3A_5 = arith.constant 0 : index
    %get3A_6 = arith.constant 0 : index
    %get3A_7 = vector.load %arg2[%get3A_4, %get3A_5, %get3A_6] : memref<1x2000x3xf32, #tpu.memory_space<vmem>>, vector<1x2000x3xf32>
    %get3A_8 = vector.shape_cast %get3A_7 : vector<1x2000x3xf32> to vector<2000x3xf32>
    %add3A = arith.addf %get3A_3, %get3A_8 : vector<2000x3xf32>
    %get3A_9 = arith.constant 0 : index
    %get3A_10 = arith.constant 0 : index
    %get3A_11 = vector.load %arg3[%get3A_9, %get3A_10] : memref<2000x3xf32, #tpu.memory_space<vmem>>, vector<2000x3xf32>
    %add3A_12 = arith.addf %add3A, %get3A_11 : vector<2000x3xf32>
    %get3A_13 = arith.constant 0 : index
    %get3A_14 = arith.constant 0 : index
    %get3A_15 = vector.load %arg4[%get3A_13, %get3A_14] : memref<2000x1xf32, #tpu.memory_space<vmem>>, vector<2000x1xf32>
    %mul3A = vector.broadcast %get3A_15 : vector<2000x1xf32> to vector<2000x3xf32>
    %mul3A_16 = arith.mulf %add3A_12, %mul3A : vector<2000x3xf32>
    %get3A_17 = arith.constant 0 : index
    %get3A_18 = arith.constant 0 : index
    %get3A_19 = vector.load %arg5[%get3A_17, %get3A_18] : memref<1x3xf32, #tpu.memory_space<vmem>>, vector<1x3xf32>
    %add3A_20 = vector.broadcast %get3A_19 : vector<1x3xf32> to vector<2000x3xf32>
    %add3A_21 = arith.addf %mul3A_16, %add3A_20 : vector<2000x3xf32>
    %max3A = arith.constant 0.000000e+00 : f32
    %max3A_22 = vector.broadcast %max3A : f32 to vector<2000x3xf32>
    %max3A_23 = arith.maximumf %add3A_21, %max3A_22 : vector<2000x3xf32>
    %swap3A = arith.constant 0 : index
    %swap3A_24 = arith.constant 0 : index
    %swap3A_25 = vector.load %arg8[%swap3A, %swap3A_24] : memref<2000x3xf32, #tpu.memory_space<vmem>>, vector<2000x3xf32>
    tpu.vector_store %arg8[%swap3A, %swap3A_24], %max3A_23 {strides = array<i32>} : memref<2000x3xf32, #tpu.memory_space<vmem>>, vector<2000x3xf32>,
    %get3A_26 = arith.constant 0 : index
    %get3A_27 = arith.constant 0 : index
    %get3A_28 = vector.load %arg6[%get3A_26, %get3A_27] : memref<3x4xf32, #tpu.memory_space<vmem>>, vector<3x4xf32>
    %dot_general3A = arith.constant dense<0.000000e+00> : vector<2000x4xf32>
    %dot_general3A_29 = tpu.matmul %max3A_23, %get3A_28, %dot_general3A {dimension_numbers = #tpu.dot_dimension_numbers<[1], [0], [0], [1], [0, 0, 1, 1], [], []>, transpose_lhs_hint = false} : vector<2000x3xf32>, vector<3x4xf32>, vector<2000x4xf32> -> vector<2000x4xf32>
    %get3A_30 = arith.constant 0 : index
    %get3A_31 = arith.constant 0 : index
    %get3A_32 = vector.load %arg7[%get3A_30, %get3A_31] : memref<1x4xf32, #tpu.memory_space<vmem>>, vector<1x4xf32>
    %add3A_33 = vector.broadcast %get3A_32 : vector<1x4xf32> to vector<2000x4xf32>
    %add3A_34 = arith.addf %dot_general3A_29, %add3A_33 : vector<2000x4xf32>
    %swap3A_35 = arith.constant 0 : index
    %swap3A_36 = arith.constant 0 : index
    %swap3A_37 = vector.load %arg9[%swap3A_35, %swap3A_36] : memref<2000x4xf32, #tpu.memory_space<vmem>>, vector<2000x4xf32>
    tpu.vector_store %arg9[%swap3A_35, %swap3A_36], %add3A_34 {strides = array<i32>} : memref<2000x4xf32, #tpu.memory_space<vmem>>, vector<2000x4xf32>,
    return
  }
  func.func @transform_0(%arg0: i32) -> (i32, i32, i32) {
    %c0_i32 = arith.constant 0 : i32
    %c0_i32_0 = arith.constant 0 : i32
    %c0_i32_1 = arith.constant 0 : i32
    return %c0_i32, %arg0, %c0_i32_0 : i32, i32, i32
  }
  func.func @transform_1(%arg0: i32) -> (i32, i32, i32) {
    %c1_i32 = arith.constant 1 : i32
    %c0_i32 = arith.constant 0 : i32
    %c0_i32_0 = arith.constant 0 : i32
    return %c1_i32, %arg0, %c0_i32 : i32, i32, i32
  }
  func.func @transform_2(%arg0: i32) -> (i32, i32) {
    %c0_i32 = arith.constant 0 : i32
    %c0_i32_0 = arith.constant 0 : i32
    return %arg0, %c0_i32 : i32, i32
  }
  func.func @transform_3(%arg0: i32) -> (i32, i32) {
    %c0_i32 = arith.constant 0 : i32
    %c0_i32_0 = arith.constant 0 : i32
    return %arg0, %c0_i32 : i32, i32
  }
  func.func @transform_4(%arg0: i32) -> (i32, i32) {
    %c0_i32 = arith.constant 0 : i32
    %c0_i32_0 = arith.constant 0 : i32
    %c0_i32_1 = arith.constant 0 : i32
    return %c0_i32, %c0_i32_0 : i32, i32
  }
  func.func @transform_5(%arg0: i32) -> (i32, i32) {
    %c0_i32 = arith.constant 0 : i32
    %c0_i32_0 = arith.constant 0 : i32
    %c0_i32_1 = arith.constant 0 : i32
    return %c0_i32, %c0_i32_0 : i32, i32
  }
  func.func @transform_6(%arg0: i32) -> (i32, i32) {
    %c0_i32 = arith.constant 0 : i32
    %c0_i32_0 = arith.constant 0 : i32
    %c0_i32_1 = arith.constant 0 : i32
    return %c0_i32, %c0_i32_0 : i32, i32
  }
  func.func @transform_7(%arg0: i32) -> (i32, i32) {
    %c0_i32 = arith.constant 0 : i32
    %c0_i32_0 = arith.constant 0 : i32
    return %arg0, %c0_i32 : i32, i32
  }
  func.func @transform_8(%arg0: i32) -> (i32, i32) {
    %c0_i32 = arith.constant 0 : i32
    %c0_i32_0 = arith.constant 0 : i32
    return %arg0, %c0_i32 : i32, i32
  }
}

</mosaic_0001>

<sc_bundles>
// kernel: kernel.6.cloned.1.call-start
scs
__scs_entry_jumppad:
0x0: {  	(pc) =	sbr.rel $0x88, $3  }
0x1: {  	(tag) =	ssettag $0x0;
	lr =	simm.s32 $0x1  }
0x2: {  	[smem:$0x3F9B] =	sst lr;
	_ =	strace $0xD0000000  }
0x3: {  	_ = 	snop  }
0x4: {  	_ = 	snop  }
0x5: {  	_ = 	snop  }
0x6: {  	_ = 	snop  }
0x7: {  	_ = 	snop  }
__scs_overlays_trampoline_lowered:
0x8: {  	[smem:$0x3FAA] =	sst s0  }
0x9: {  	[smem:$0x3FAB] =	sst s1  }
0xa: {  	[smem:$0x3FAC] =	sst s2  }
0xb: {  	[smem:$0x3FAD] =	sst s3  }
0xc: {  	[smem:$0x3FAE] =	sst s4  }
0xd: {  	[smem:$0x3FAF] =	sst s5  }
0xe: {  	[smem:$0x3FB0] =	sst s6  }
0xf: {  	[smem:$0x3FB1] =	sst s7  }
0x10: {  	[smem:$0x3FB2] =	sst s8  }
0x11: {  	[smem:$0x3FB3] =	sst s9;
	s0 =	simm.s32 @!p0 $0x0  }
0x12: {  	s1 =	sld [smem:$0x3F99];
	s0 =	simm.s32 @p0 $0x1  }
0x13: {  	[smem:$0x3FB4] =	sst s0;
	s0 =	simm.s32 @!p1 $0x0  }
0x14: {  	s2 =	sld [smem:$0x3F98];
	s0 =	simm.s32 @p1 $0x1  }
0x15: {  	[smem:$0x3FB5] =	sst s0;
	s0 =	simm.s32 @!p2 $0x0  }
0x16: {  	s3 =	sld [smem:$0x3FDB];
	s0 =	simm.s32 @p2 $0x1  }
0x17: {  	s4 =	simm.s32 $0x1BF5;
	[smem:$0x3FB7] =	sst s0  }
0x18: {  	s0 =	sld [smem:$0x3F9A];
	_ =	swait.ge [sflag:s4], $0x0  }
0x19: {  	s7 =	sld [smem:$0x3F9B]  }
0x1a: {  	s8 =	sadd.s32 $0xFFFFE003, lr  }
0x1b: {  	s9 =	sadd.s32 $0xFFFFFEF7, lr;
	s5 =	simm.s32 $0xFFFFFFFF;
	p2 =	slt.u32 s8, $0xFFFFF086  }
0x1c: {  	p1 =	slt.u32 s9, $0xF7A;
	s5 =	simm.s32 @!p2 $0x0  }
0x1d: {  	s5 =	simm.s32 @p1 $0x1;
	p0 =	seq.s32 s7, s2  }
0x1e: {  	s7 =	smul.u32 @!p0 $0xF7A, s2;
	p2 =	seq.s32 @!p0 s5, $0x0  }
0x1f: {  	s9 =	smul.u32 $0xF7A, s1;
	s8 =	simm.s32 @!p0 $0x1BF5;
	p2 =	por !p2, p0  }
0x20: {  	[sflag:s8] =	ssyncset.s32 @!p0 $0xFFFFF086;
	s6 =	sadd.s32 @!p0 s3, s7;
	s7 =	simm.s32 @!p0 $0x108  }
0x21: {  	s3 =	sadd.s32 s3, s9;
	s6 =	sadd.s32 @!p0 $0x88, s6;
	s7 =	simm.s32 @p2 $0x1082  }
0x22: {  	[simem:s7], [sflag:s8] =	dma.local @!p0 [hbm:s6], $0xF7A  }
0x23: {  	s9 =	sor.u32 $0xD0000000, s2;
	s6 =	simm.s32 $0x108;
	_ =	swait.ge @!p0 [sflag:s8], $0x0  }
0x24: {  	s3 =	sadd.s32 $0x88, s3;
	s6 =	simm.s32 @!p1 $0x1082;
	[sflag:s4] =	ssyncset.s32 $0xFFFFF086  }
0x25: {  	[simem:s6], [sflag:s4] =	dma.local [hbm:s3], $0xF7A  }
0x26: {  	[smem:$0x3F9B] =	sst s1;
	(tag) =	ssettag s2;
	_ =	strace s9  }
0x27: {  	s1 =	sld [smem:$0x3FAB]  }
0x28: {  	s2 =	sld [smem:$0x3FAC]  }
0x29: {  	s4 =	sld [smem:$0x3FAE]  }
0x2a: {  	p0 =	seq.s32 s5, $0x0;
	s5 =	sld [smem:$0x3FAF]  }
0x2b: {  	s6 =	sld [smem:$0x3FB0]  }
0x2c: {  	s7 =	sld [smem:$0x3FB1]  }
0x2d: {  	s3 =	simm.s32 $0x108;
	s8 =	sld [smem:$0x3FB2]  }
0x2e: {  	s3 =	simm.s32 @!p0 $0x1082;
	s9 =	sld [smem:$0x3FB3]  }
0x2f: {  	lr =	sadd.s32 s0, s3;
	s0 =	sld [smem:$0x3FAA]  }
0x30: {  	s3 =	sld [smem:$0x3FAD]  }
0x31: {  	[smem:$0x3FB6] =	sst s10  }
0x32: {  	s10 =	sld [smem:$0x3FB4];
	_ =	sdelay $0x3  }
0x33: {  	p0 =	seq.s32 s10, $0x1;
	s10 =	sld [smem:$0x3FB6];
	_ =	sdelay $0x3  }
0x34: {  	[smem:$0x3FB6] =	sst s10  }
0x35: {  	s10 =	sld [smem:$0x3FB5];
	_ =	sdelay $0x3  }
0x36: {  	p1 =	seq.s32 s10, $0x1;
	s10 =	sld [smem:$0x3FB6];
	_ =	sdelay $0x3  }
0x37: {  	[smem:$0x3FB6] =	sst s10  }
0x38: {  	s10 =	sld [smem:$0x3FB7]  }
0x39: {  	_ = 	snop;
	(pc) =	sbr.ind lr, $3  }
0x3a: {  	_ = 	snop  }
0x3b: {  	_ = 	snop  }
0x3c: {  	p2 =	seq.s32 s10, $0x1;
	s10 =	sld [smem:$0x3FB6]  }
0x3d: {  	_ =	shalt  }
0x3e: {  	_ =	shalt  }
0x3f: {  	_ =	shalt  }
0x40: {  	_ =	shalt  }
0x41: {  	_ =	shalt  }
0x42: {  	_ =	shalt  }
0x43: {  	_ =	shalt  }
0x44: {  	_ =	shalt  }
0x45: {  	_ =	shalt  }
0x46: {  	_ =	shalt  }
0x47: {  	_ =	shalt  }
0x48: {  	_ =	shalt  }
0x49: {  	_ =	shalt  }
0x4a: {  	_ =	shalt  }
0x4b: {  	_ =	shalt  }
0x4c: {  	_ =	shalt  }
0x4d: {  	_ =	shalt  }
0x4e: {  	_ =	shalt  }
0x4f: {  	_ =	shalt  }
0x50: {  	_ =	shalt  }
0x51: {  	_ =	shalt  }
0x52: {  	_ =	shalt  }
0x53: {  	_ =	shalt  }
0x54: {  	_ =	shalt  }
0x55: {  	_ =	shalt  }
0x56: {  	_ =	shalt  }
0x57: {  	_ =	shalt  }
0x58: {  	_ =	shalt  }
0x59: {  	_ =	shalt  }
0x5a: {  	_ =	shalt  }
0x5b: {  	_ =	shalt  }
0x5c: {  	_ =	shalt  }
0x5d: {  	_ =	shalt  }
0x5e: {  	_ =	shalt  }
0x5f: {  	_ =	shalt  }
0x60: {  	_ =	shalt  }
0x61: {  	_ =	shalt  }
0x62: {  	_ =	shalt  }
0x63: {  	_ =	shalt  }
0x64: {  	_ =	shalt  }
0x65: {  	_ =	shalt  }
0x66: {  	_ =	shalt  }
0x67: {  	_ =	shalt  }
0x68: {  	_ =	shalt  }
0x69: {  	_ =	shalt  }
0x6a: {  	_ =	shalt  }
0x6b: {  	_ =	shalt  }
0x6c: {  	_ =	shalt  }
0x6d: {  	_ =	shalt  }
0x6e: {  	_ =	shalt  }
0x6f: {  	_ =	shalt  }
0x70: {  	_ =	shalt  }
0x71: {  	_ =	shalt  }
0x72: {  	_ =	shalt  }
0x73: {  	_ =	shalt  }
0x74: {  	_ =	shalt  }
0x75: {  	_ =	shalt  }
0x76: {  	_ =	shalt  }
0x77: {  	_ =	shalt  }
0x78: {  	_ =	shalt  }
0x79: {  	_ =	shalt  }
0x7a: {  	_ =	shalt  }
0x7b: {  	_ =	shalt  }
0x7c: {  	_ =	shalt  }
0x7d: {  	_ =	shalt  }
0x7e: {  	_ =	shalt  }
0x7f: {  	_ =	shalt  }
0x80: {  	_ =	shalt  }
0x81: {  	_ =	shalt  }
0x82: {  	_ =	shalt  }
0x83: {  	_ =	shalt  }
0x84: {  	_ =	shalt  }
0x85: {  	_ =	shalt  }
0x86: {  	_ =	shalt  }
0x87: {  	_ =	shalt  }
.Lfunc_end0:
.L_simem_size_0:
called_computation_lowered:
.L_overlay_start_0:
0x88: {  	s2 =	sld [smem:$0x3FD9]  }
0x89: {  	s3 =	sld [smem:$0x3FFE];
	_ =	sdelay $0x1  }
0x8a: {  	s1 =	srdreg.scid  }
0x8b: {  	s0 =	sand.u32 $0x1, s1  }
0x8c: {  	s14 =	sshll.u32 s0, $0xA;
	s2 =	sadd.s32 s3, s2  }
0x8d: {  	s2 =	sadd.s32 s2, s14  }
0x8e: {  	[smem:$0x3FC2] =	sst s2  }
0x8f: {  	_ = 	snop  }
0x90: {  	s2 =	sld [smem:$0x3FD0];
	_ =	sdelay $0x2  }
0x91: {  	s15 =	simm.s32 $0xA;
	s4 =	simm.s32 $0x10  }
0x92: {  	[smem:s4], [sflag:s15] =	dma.local [hbm:s2], $0x1  }
0x93: {  	_ =	swait.eq [sflag:s15], $0x1  }
0x94: {  	[sflag:s15] =	ssyncset.done $0x0  }
0x95: {  	[sflag:s15] =	ssyncadd.s32 $0xFFFFFFFF  }
0x96: {  	s16 =	sld [smem:$0x11];
	(tm) =	ssettm $0x1  }
0x97: {  	s17 =	sld [smem:$0x3FFB];
	_ =	sdelay $0x3  }
0x98: {  	_ =	strace s17  }
0x99: {  	s3 =	sld [smem:$0x3FFC];
	_ =	sdelay $0x3  }
0x9a: {  	_ =	strace s3  }
0x9b: {  	s3 =	sld [smem:$0x3FFD];
	_ =	sdelay $0x3  }
0x9c: {  	_ =	strace s3  }
0x9d: {  	_ =	strace $0x8FFFFFFF  }
0x9e: {  	s18 =	sld [smem:$0x3FDB];
	_ =	sdelay $0x1  }
0x9f: {  	s19 =	simm.s32 $_scs_section_size  }
0xa0: {  	s5 =	simm.s32 $_size__tile_overlayer_lowered;
	s6 =	simm.s32 $_tile_overlayer_lowered  }
0xa1: {  	s22 =	simm.s32 $0x1BFF;
	s21 =	sshll.u32 s6, $0x1;
	s3 =	sadd.s32 s19, s18  }
0xa2: {  	s7 =	simm.s32 $0x0;
	s20 =	sshll.u32 s5, $0x1;
	s5 =	sadd.s32 s21, s3  }
0xa3: {  	[timem:s7], [sflag:s22] =	dma.local [hbm:s5], s20  }
0xa4: {  	_ =	swait.ge [sflag:s22], s20  }
0xa5: {  	s4 =	ssub.s32 $0x0, s20;
	[sflag:s22] =	ssyncset.done $0x0  }
0xa6: {  	[sflag:s22] =	ssyncadd.s32 s4;
	_ =	sdelay $0x1  }
0xa7: {  	s23 =	simm.s32 $0x1B8B  }
0xa8: {  	_ =	swait.ge [sflag:s23], $0x1  }
0xa9: {  	[sflag:s23] =	ssyncset.done $0x0  }
0xaa: {  	s25 =	simm.s32 $0x1B8E;
	s24 =	sld [smem:$0x3FFE];
	[sflag:s23] =	ssyncadd.s32 $0xFFFFFFFF  }
0xab: {  	s26 =	simm.s32 $execute0_lowered;
	[smem:$0x3FD2] =	sst s25  }
0xac: {  	s5 =	sshll.u32 s26, $0x1;
	_ =	strace $0x80000046;
	[dreg:$0x1] =	wrdreg $0xFFFFFFFF  }
0xad: {  	s28 =	simm.s32 $_size_execute0_lowered;
	s3 =	sadd.s32 s3, s5;
	[dreg:$0x0] =	wrdreg $0x0  }
0xae: {  	s5 =	sshll.u32 s28, $0x1;
	[dreg:$0x2] =	wrdreg s3  }
0xaf: {  	[dreg:$0x3] =	wrdreg s5  }
0xb0: {  	[dreg:$0x4] =	wrdreg $0xC0  }
0xb1: {  	_ =	task [dreg:s7], $0x5FFFF  }
0xb2: {  	[dreg:$0x1] =	wrdreg $0xFFFFFFFF  }
0xb3: {  	[dreg:$0x0] =	wrdreg $0x60  }
0xb4: {  	[dreg:$0x2] =	wrdreg s24  }
0xb5: {  	[dreg:$0x3] =	wrdreg s16  }
0xb6: {  	[dreg:$0x4] =	wrdreg $0x3F400  }
0xb7: {  	[dreg:$0x5] =	wrdreg $0x9  }
0xb8: {  	_ =	task.clear_ibuf [dreg:s7], $0x6FFFF;
	_ =	strace $0x90000046  }
0xb9: {  	s29 =	simm.s32 $0x9;
	_ =	strace $0x80000048  }
0xba: {  	_ =	swait.ge [sflag:s29], $0x1  }
0xbb: {  	[sflag:s29] =	ssyncadd.s32 $0xFFFFFFFF  }
0xbc: {  	_ =	strace $0x90000048  }
0xbd: {  	_ =	sfence  }
0xbe: {  	s30 =	sld [smem:$0x0];
	_ =	sdelay $0x2  }
0xbf: {  	s31 =	sshll.u32 s1, $0xD;
	s1 =	sshrl.u32 s1, $0x2  }
0xc0: {  	s3 =	sand.u32 $0x4000, s31;
	s1 =	sadd.s32 s1, s30  }
0xc1: {  	s0 =	sor.u32 s3, s0;
	s1 =	sshll.u32 s1, $0x11  }
0xc2: {  	s0 =	sor.u32 s1, s0  }
0xc3: {  	s0 =	sadd.s32 $0x8F2B, s0  }
0xc4: {  	[sflag:s0] =	ssyncadd.remote.s32 $0x1  }
0xc5: {  	_ =	sfence.sel $0xFFFF  }
0xc6: {  	[dreg:$0x0] =	wrdreg $0xFFFFFFFF;
	(pc) =	sbr.abs _section_cstart, $3  }
0xc7: {  	[dreg:$0x1] =	wrdreg $0xFFFFFFFF  }
0xc8: {  	_ =	task.clear_ibuf [dreg:s7], $0x2FFFF;
	_ =	strace $0x9FFFFFFF  }
0xc9: {  	(tm) =	ssettm $0x7FFFFFFF  }
tec
execute0_lowered:
.L_overlay_start_1:
0x0: {  	(tag) =	ssettag $0x1  }
0x1: {  	s6 =	rddreg [dreg:$0x0]  }
0x2: {  	s0 =	srdreg.scid;
	s2 =	rddreg [dreg:$0x1]  }
0x3: {  	s3 =	rddreg [dreg:$0x2];
	s4 =	simm.s32 $0x0;
	s12 =	simm.s32 $0x2B80  }
0x4: {  	s13 =	simm.s32 $0x80;
	s14 =	simm.s32 $0x1;
	s15 =	simm.s32 $0x2  }
0x5: {  	s16 =	simm.s32 $0x0;
	s5 =	sand.u32 $0x1, s0;
	s0 =	stileid.u32  }
0x6: {  	[smem:$0x7FF] =	sst s4;
	s1 =	sshll.u32 s5, $0x4;
	s8 =	smul.u32 $0x13C0, s0  }
0x7: {  	s9 =	smul.u32 $0x13C00, s5;
	s5 =	ssub.s32 $0x2, s5;
	s1 =	sor.u32 s0, s1  }
0x8: {  	s11 =	sshrl.u32 s5, $0x1;
	s7 =	smul.u32 $0x4F0, s1;
	s1 =	rddreg [dreg:$0x3]  }
0x9: {  	_ =	strace $0x80000047;
	s9 =	sadd.s32 s8, s9;
	s10 =	sshrl.u32 s8, $0x3  }
0xa: {  	s11 =	ssub.s32 s5, s11;
	s9 =	sshrl.u32 s9, $0x3;
	s10 =	sadd.s32 s10, s6  }
0xb: {  	s7 =	sadd.s32 s7, s6;
	s9 =	sadd.s32 s9, s6;
	s6 =	sadd.s32 $0x1400, s10  }
0xc: {  	s10 =	simm.s32 $0x3;
	s5 =	sadd.s32 $0x3C00, s7;
	s7 =	sadd.s32 s8, s3  }
0xd: {  	s8 =	sadd.s32 $0xDA00, s9;
	s9 =	smax.u32 s11, $0x1;
	s11 =	simm.s32 $0x2780  }
.LBB2_1:
0xe: {  	[tilespmem:s4], [sflag:$0x3] =	stream.linear.gather [hbm4b:s5+s4], $0x2780, $0x38;
	[tilespmem:$0x41B8] =	vst v63  }
0xf: {  	_ =	swait.ge [sflag:s10], $0x2780  }
0x10: {  	[sflag:s10] =	ssyncset.done $0x0  }
0x11: {  	[sflag:s10] =	ssyncadd.s32 $0xFFFFD880  }
0x12: {  	[tilespmem:s11], [sflag:$0x3] =	stream.linear.gather [hbm4b:s2+s4], $0x400, $0x38;
	[tilespmem:$0x41B8] =	vst v63  }
0x13: {  	_ =	swait.ge [sflag:s10], $0x400  }
0x14: {  	[sflag:s10] =	ssyncset.done $0x0  }
0x15: {  	[sflag:s10] =	ssyncadd.s32 $0xFFFFFC00  }
0x16: {  	[tilespmem:s12], [sflag:$0x3] =	stream.linear.gather [hbm4b:s6+s4], $0x13C0, $0x38;
	[tilespmem:$0x41B8] =	vst v63  }
0x17: {  	_ =	swait.ge [sflag:s10], $0x13C0  }
0x18: {  	[sflag:s10] =	ssyncset.done $0x0  }
0x19: {  	[sflag:s10] =	ssyncadd.s32 $0xFFFFEC40  }
0x1a: {  	[spmem:s7] =	stream.linear.scatter [tilespmem:s12], [sflag:$0x3], $0x13C0, $0x38;
	[tilespmem:$0x41B8] =	vst v63  }
0x1b: {  	_ =	swait.ge [sflag:s10], $0x13C0  }
0x1c: {  	[sflag:s10] =	ssyncset.done $0x0  }
0x1d: {  	[sflag:s10] =	ssyncadd.s32 $0xFFFFEC40  }
0x1e: {  	[bflag:$0x0] =	sbarrier.arrive $0xFFFF  }
0x1f: {  	[spmem:s3] =	stream.indirect.scatter.add.f32 [tilespmem:s11], [sflag:$0x1], $0x1, s4, s13, $0xb8;
	[tilespmem:$0x41B8] =	vst v63  }
0x20: {  	s17 =	simm.s32 $0x80  }
0x21: {  	[spmem:s3] =	stream.indirect.scatter.add.f32 [tilespmem:s11], [sflag:$0x2], $0x1, s17, s13, $0xb8;
	[tilespmem:$0x41B8] =	vst v63  }
0x22: {  	_ =	swait.ge [sflag:s14], $0x80  }
0x23: {  	[sflag:s14] =	ssyncset.done $0x0  }
0x24: {  	s31 =	simm.s32 $0x100;
	[sflag:s14] =	ssyncadd.s32 $0xFFFFFF80  }
0x25: {  	[spmem:s3] =	stream.indirect.scatter.add.f32 [tilespmem:s11], [sflag:$0x1], $0x1, s31, s13, $0xb8;
	[tilespmem:$0x41B8] =	vst v63  }
0x26: {  	_ =	swait.ge [sflag:s15], $0x80  }
0x27: {  	s18 =	simm.s32 $0xFFFF6C00;
	s17 =	simm.s32 $0xFFFFDA00;
	[sflag:s15] =	ssyncset.done $0x0  }
.LBB2_2:
0x28: {  	s19 =	sadd.s32 $0x2780, s17  }
0x29: {  	[sflag:s15] =	ssyncadd.s32 $0xFFFFFF80;
	s20 =	smov.u32 s18;
	s21 =	sadd.s32 $0x400, s18  }
0x2a: {  	[spmem:s3] =	stream.indirect.scatter.add.f32 [tilespmem:s11], [sflag:$0x2], $0x1, s19, s13, $0xb8;
	[tilespmem:$0x41B8] =	vst v63  }
0x2b: {  	p0 =	sne.s32 s18, $0xFFFFFC00;
	_ =	swait.ge [sflag:s14], $0x80  }
.Ltmp0:
0x2c: {  	[sflag:s14] =	ssyncset.done $0x0;
	(pc) =	sbr.rel @p0 .LBB2_2-.Ltmp0, $4  }
0x2d: {  	s17 =	sadd.s32 $0x2800, s17;
	[sflag:s14] =	ssyncadd.s32 $0xFFFFFF80  }
0x2e: {  	[spmem:s3] =	stream.indirect.scatter.add.f32 [tilespmem:s11], [sflag:$0x1], $0x1, s17, s13, $0xb8;
	[tilespmem:$0x41B8] =	vst v63  }
0x2f: {  	_ =	swait.ge [sflag:s15], $0x80  }
0x30: {  	s18 =	smov.u32 s21;
	s17 =	sshra.s32 s20, $0x2;
	[sflag:s15] =	ssyncset.done $0x0  }
0x31: {  	s18 =	sadd.s32 $0x2780, s17;
	[sflag:s15] =	ssyncadd.s32 $0xFFFFFF80  }
0x32: {  	[spmem:s3] =	stream.indirect.scatter.add.f32 [tilespmem:s11], [sflag:$0x2], $0x1, s18, s13, $0xb8;
	[tilespmem:$0x41B8] =	vst v63  }
0x33: {  	_ =	swait.ge [sflag:s14], $0x80  }
0x34: {  	[sflag:s14] =	ssyncset.done $0x0  }
0x35: {  	s31 =	sadd.s32 $0x2800, s17;
	[sflag:s14] =	ssyncadd.s32 $0xFFFFFF80  }
0x36: {  	[spmem:s3] =	stream.indirect.scatter.add.f32 [tilespmem:s11], [sflag:$0x1], $0x1, s31, s13, $0xb8;
	[tilespmem:$0x41B8] =	vst v63  }
0x37: {  	_ =	swait.ge [sflag:s15], $0x80  }
0x38: {  	[sflag:s15] =	ssyncset.done $0x0  }
0x39: {  	[sflag:s15] =	ssyncadd.s32 $0xFFFFFF80  }
0x3a: {  	_ =	swait.ge [sflag:s14], $0x80  }
0x3b: {  	[sflag:s14] =	ssyncset.done $0x0  }
0x3c: {  	[sflag:s14] =	ssyncadd.s32 $0xFFFFFF80  }
0x3d: {  	[bflag:$0x0] =	sbarrier.arrive $0xFFFF  }
0x3e: {  	[tilespmem:s12], [sflag:$0x3] =	stream.linear.gather [spmem:s7], $0x13C0, $0x38;
	[tilespmem:$0x41B8] =	vst v63  }
0x3f: {  	s16 =	sadd.s32 $0x1, s16;
	_ =	swait.ge [sflag:s10], $0x13C0  }
0x40: {  	p0 =	sne.s32 s16, s9;
	[sflag:s10] =	ssyncset.done $0x0  }
.Ltmp1:
0x41: {  	[sflag:s10] =	ssyncadd.s32 $0xFFFFEC40;
	(pc) =	sbr.rel @p0 .LBB2_1-.Ltmp1, $4  }
0x42: {  	[hbm4b:s8+s4] =	stream.linear.scatter [tilespmem:s12], [sflag:$0x3], $0x13C0, $0x38;
	[tilespmem:$0x41B8] =	vst v63  }
0x43: {  	_ =	swait.ge [sflag:s10], $0x13C0  }
0x44: {  	[sflag:s10] =	ssyncset.done $0x0  }
0x45: {  	[sflag:s10] =	ssyncadd.s32 $0xFFFFEC40  }
0x46: {  	_ =	sfence.sel $0x180000  }
0x47: {  	[bflag:$0x0] =	sbarrier.arrive $0xFFFF  }
0x48: {  	p0 =	sne.s32 s0, $0x0;
	_ =	strace $0x90000047  }
0x49: {  	s0 =	sadd.s32 @!p0 $0x100000, s1;
	[bflag:$0x2] =	sbarrier.arrive $0xFFFF  }
0x4a: {  	[sflag:s0] =	ssyncadd.tile.s32 @!p0 $0x1;
	_ =	shalt  }
.Lfunc_end2:
_tile_overlayer_lowered:
.L_overlay_start_2:
0x4b: {  	(tag) =	ssettag $0x2  }
0x4c: {  	s0 =	rddreg [dreg:$0x0];
	s2 =	stileid.u32  }
0x4d: {  	s1 =	rddreg [dreg:$0x1];
	p0 =	sne.s32 s2, $0x0  }
0x4e: {  	s3 =	rddreg [dreg:$0x2];
	[bflag:$0x3] =	sbarrier.arrive $0xFFFF;
	s2 =	simm.s32 @!p0 $0x1C03  }
0x4f: {  	[timem:s3], [sflag:s2] =	dma.local @!p0 [hbm:s0], s1  }
0x50: {  	s0 =	simm.s32 @!p0 $0x3  }
0x51: {  	_ =	swait.ge @!p0 [sflag:s0], s1  }
0x52: {  	s1 =	ssub.s32 @!p0 $0x0, s1;
	[sflag:s0] =	ssyncset.done @!p0 $0x0  }
0x53: {  	[sflag:s0] =	ssyncadd.s32 @!p0 s1  }
0x54: {  	[bflag:$0x3] =	sbarrier.arrive $0xFFFF  }
0x55: {  	_ =	shalt  }

// kernel: kernel.9.cloned.1.call-start
scs
__scs_entry_jumppad:
0x0: {  	(pc) =	sbr.rel $0x88, $3  }
0x1: {  	(tag) =	ssettag $0x0;
	lr =	simm.s32 $0x1  }
0x2: {  	[smem:$0x3F9B] =	sst lr;
	_ =	strace $0xD0000000  }
0x3: {  	_ = 	snop  }
0x4: {  	_ = 	snop  }
0x5: {  	_ = 	snop  }
0x6: {  	_ = 	snop  }
0x7: {  	_ = 	snop  }
__scs_overlays_trampoline_lowered:
0x8: {  	[smem:$0x3FAA] =	sst s0  }
0x9: {  	[smem:$0x3FAB] =	sst s1  }
0xa: {  	[smem:$0x3FAC] =	sst s2  }
0xb: {  	[smem:$0x3FAD] =	sst s3  }
0xc: {  	[smem:$0x3FAE] =	sst s4  }
0xd: {  	[smem:$0x3FAF] =	sst s5  }
0xe: {  	[smem:$0x3FB0] =	sst s6  }
0xf: {  	[smem:$0x3FB1] =	sst s7  }
0x10: {  	[smem:$0x3FB2] =	sst s8  }
0x11: {  	[smem:$0x3FB3] =	sst s9;
	s0 =	simm.s32 @!p0 $0x0  }
0x12: {  	s1 =	sld [smem:$0x3F99];
	s0 =	simm.s32 @p0 $0x1  }
0x13: {  	[smem:$0x3FB4] =	sst s0;
	s0 =	simm.s32 @!p1 $0x0  }
0x14: {  	s2 =	sld [smem:$0x3F98];
	s0 =	simm.s32 @p1 $0x1  }
0x15: {  	[smem:$0x3FB5] =	sst s0;
	s0 =	simm.s32 @!p2 $0x0  }
0x16: {  	s3 =	sld [smem:$0x3FDB];
	s0 =	simm.s32 @p2 $0x1  }
0x17: {  	s4 =	simm.s32 $0x1BF5;
	[smem:$0x3FB7] =	sst s0  }
0x18: {  	s0 =	sld [smem:$0x3F9A];
	_ =	swait.ge [sflag:s4], $0x0  }
0x19: {  	s7 =	sld [smem:$0x3F9B]  }
0x1a: {  	s8 =	sadd.s32 $0xFFFFE003, lr  }
0x1b: {  	s9 =	sadd.s32 $0xFFFFFEF7, lr;
	s5 =	simm.s32 $0xFFFFFFFF;
	p2 =	slt.u32 s8, $0xFFFFF086  }
0x1c: {  	p1 =	slt.u32 s9, $0xF7A;
	s5 =	simm.s32 @!p2 $0x0  }
0x1d: {  	s5 =	simm.s32 @p1 $0x1;
	p0 =	seq.s32 s7, s2  }
0x1e: {  	s7 =	smul.u32 @!p0 $0xF7A, s2;
	p2 =	seq.s32 @!p0 s5, $0x0  }
0x1f: {  	s9 =	smul.u32 $0xF7A, s1;
	s8 =	simm.s32 @!p0 $0x1BF5;
	p2 =	por !p2, p0  }
0x20: {  	[sflag:s8] =	ssyncset.s32 @!p0 $0xFFFFF086;
	s6 =	sadd.s32 @!p0 s3, s7;
	s7 =	simm.s32 @!p0 $0x108  }
0x21: {  	s3 =	sadd.s32 s3, s9;
	s6 =	sadd.s32 @!p0 $0x88, s6;
	s7 =	simm.s32 @p2 $0x1082  }
0x22: {  	[simem:s7], [sflag:s8] =	dma.local @!p0 [hbm:s6], $0xF7A  }
0x23: {  	s9 =	sor.u32 $0xD0000000, s2;
	s6 =	simm.s32 $0x108;
	_ =	swait.ge @!p0 [sflag:s8], $0x0  }
0x24: {  	s3 =	sadd.s32 $0x88, s3;
	s6 =	simm.s32 @!p1 $0x1082;
	[sflag:s4] =	ssyncset.s32 $0xFFFFF086  }
0x25: {  	[simem:s6], [sflag:s4] =	dma.local [hbm:s3], $0xF7A  }
0x26: {  	[smem:$0x3F9B] =	sst s1;
	(tag) =	ssettag s2;
	_ =	strace s9  }
0x27: {  	s1 =	sld [smem:$0x3FAB]  }
0x28: {  	s2 =	sld [smem:$0x3FAC]  }
0x29: {  	s4 =	sld [smem:$0x3FAE]  }
0x2a: {  	p0 =	seq.s32 s5, $0x0;
	s5 =	sld [smem:$0x3FAF]  }
0x2b: {  	s6 =	sld [smem:$0x3FB0]  }
0x2c: {  	s7 =	sld [smem:$0x3FB1]  }
0x2d: {  	s3 =	simm.s32 $0x108;
	s8 =	sld [smem:$0x3FB2]  }
0x2e: {  	s3 =	simm.s32 @!p0 $0x1082;
	s9 =	sld [smem:$0x3FB3]  }
0x2f: {  	lr =	sadd.s32 s0, s3;
	s0 =	sld [smem:$0x3FAA]  }
0x30: {  	s3 =	sld [smem:$0x3FAD]  }
0x31: {  	[smem:$0x3FB6] =	sst s10  }
0x32: {  	s10 =	sld [smem:$0x3FB4];
	_ =	sdelay $0x3  }
0x33: {  	p0 =	seq.s32 s10, $0x1;
	s10 =	sld [smem:$0x3FB6];
	_ =	sdelay $0x3  }
0x34: {  	[smem:$0x3FB6] =	sst s10  }
0x35: {  	s10 =	sld [smem:$0x3FB5];
	_ =	sdelay $0x3  }
0x36: {  	p1 =	seq.s32 s10, $0x1;
	s10 =	sld [smem:$0x3FB6];
	_ =	sdelay $0x3  }
0x37: {  	[smem:$0x3FB6] =	sst s10  }
0x38: {  	s10 =	sld [smem:$0x3FB7]  }
0x39: {  	_ = 	snop;
	(pc) =	sbr.ind lr, $3  }
0x3a: {  	_ = 	snop  }
0x3b: {  	_ = 	snop  }
0x3c: {  	p2 =	seq.s32 s10, $0x1;
	s10 =	sld [smem:$0x3FB6]  }
0x3d: {  	_ =	shalt  }
0x3e: {  	_ =	shalt  }
0x3f: {  	_ =	shalt  }
0x40: {  	_ =	shalt  }
0x41: {  	_ =	shalt  }
0x42: {  	_ =	shalt  }
0x43: {  	_ =	shalt  }
0x44: {  	_ =	shalt  }
0x45: {  	_ =	shalt  }
0x46: {  	_ =	shalt  }
0x47: {  	_ =	shalt  }
0x48: {  	_ =	shalt  }
0x49: {  	_ =	shalt  }
0x4a: {  	_ =	shalt  }
0x4b: {  	_ =	shalt  }
0x4c: {  	_ =	shalt  }
0x4d: {  	_ =	shalt  }
0x4e: {  	_ =	shalt  }
0x4f: {  	_ =	shalt  }
0x50: {  	_ =	shalt  }
0x51: {  	_ =	shalt  }
0x52: {  	_ =	shalt  }
0x53: {  	_ =	shalt  }
0x54: {  	_ =	shalt  }
0x55: {  	_ =	shalt  }
0x56: {  	_ =	shalt  }
0x57: {  	_ =	shalt  }
0x58: {  	_ =	shalt  }
0x59: {  	_ =	shalt  }
0x5a: {  	_ =	shalt  }
0x5b: {  	_ =	shalt  }
0x5c: {  	_ =	shalt  }
0x5d: {  	_ =	shalt  }
0x5e: {  	_ =	shalt  }
0x5f: {  	_ =	shalt  }
0x60: {  	_ =	shalt  }
0x61: {  	_ =	shalt  }
0x62: {  	_ =	shalt  }
0x63: {  	_ =	shalt  }
0x64: {  	_ =	shalt  }
0x65: {  	_ =	shalt  }
0x66: {  	_ =	shalt  }
0x67: {  	_ =	shalt  }
0x68: {  	_ =	shalt  }
0x69: {  	_ =	shalt  }
0x6a: {  	_ =	shalt  }
0x6b: {  	_ =	shalt  }
0x6c: {  	_ =	shalt  }
0x6d: {  	_ =	shalt  }
0x6e: {  	_ =	shalt  }
0x6f: {  	_ =	shalt  }
0x70: {  	_ =	shalt  }
0x71: {  	_ =	shalt  }
0x72: {  	_ =	shalt  }
0x73: {  	_ =	shalt  }
0x74: {  	_ =	shalt  }
0x75: {  	_ =	shalt  }
0x76: {  	_ =	shalt  }
0x77: {  	_ =	shalt  }
0x78: {  	_ =	shalt  }
0x79: {  	_ =	shalt  }
0x7a: {  	_ =	shalt  }
0x7b: {  	_ =	shalt  }
0x7c: {  	_ =	shalt  }
0x7d: {  	_ =	shalt  }
0x7e: {  	_ =	shalt  }
0x7f: {  	_ =	shalt  }
0x80: {  	_ =	shalt  }
0x81: {  	_ =	shalt  }
0x82: {  	_ =	shalt  }
0x83: {  	_ =	shalt  }
0x84: {  	_ =	shalt  }
0x85: {  	_ =	shalt  }
0x86: {  	_ =	shalt  }
0x87: {  	_ =	shalt  }
.Lfunc_end0:
.L_simem_size_0:
called_computation.1_lowered:
.L_overlay_start_0:
0x88: {  	s2 =	sld [smem:$0x3FD9]  }
0x89: {  	s3 =	sld [smem:$0x3FFE];
	_ =	sdelay $0x1  }
0x8a: {  	s1 =	srdreg.scid  }
0x8b: {  	s0 =	sand.u32 $0x1, s1  }
0x8c: {  	s16 =	sshll.u32 s0, $0xA;
	s2 =	sadd.s32 s3, s2  }
0x8d: {  	s2 =	sadd.s32 s2, s16  }
0x8e: {  	[smem:$0x3FC2] =	sst s2  }
0x8f: {  	_ = 	snop  }
0x90: {  	(tm) =	ssettm $0x1  }
0x91: {  	s17 =	sld [smem:$0x3FFB];
	_ =	sdelay $0x3  }
0x92: {  	_ =	strace s17  }
0x93: {  	s2 =	sld [smem:$0x3FFC];
	_ =	sdelay $0x3  }
0x94: {  	_ =	strace s2  }
0x95: {  	s2 =	sld [smem:$0x3FFD];
	_ =	sdelay $0x3  }
0x96: {  	_ =	strace s2  }
0x97: {  	_ =	strace $0x8FFFFFFF  }
0x98: {  	s18 =	sld [smem:$0x3FDB];
	_ =	sdelay $0x1  }
0x99: {  	s19 =	simm.s32 $_scs_section_size  }
0x9a: {  	s4 =	simm.s32 $_size__tile_overlayer_lowered;
	s5 =	simm.s32 $_tile_overlayer_lowered  }
0x9b: {  	s22 =	simm.s32 $0x1BFF;
	s21 =	sshll.u32 s5, $0x1;
	s2 =	sadd.s32 s19, s18  }
0x9c: {  	s6 =	simm.s32 $0x0;
	s20 =	sshll.u32 s4, $0x1;
	s4 =	sadd.s32 s21, s2  }
0x9d: {  	[timem:s6], [sflag:s22] =	dma.local [hbm:s4], s20  }
0x9e: {  	_ =	swait.ge [sflag:s22], s20  }
0x9f: {  	s3 =	ssub.s32 $0x0, s20;
	[sflag:s22] =	ssyncset.done $0x0  }
0xa0: {  	[sflag:s22] =	ssyncadd.s32 s3;
	_ =	sdelay $0x1  }
0xa1: {  	s23 =	simm.s32 $0x1B8B  }
0xa2: {  	_ =	swait.ge [sflag:s23], $0x1  }
0xa3: {  	[sflag:s23] =	ssyncset.done $0x0  }
0xa4: {  	s25 =	simm.s32 $0x1B8E;
	s24 =	sld [smem:$0x3FFE];
	[sflag:s23] =	ssyncadd.s32 $0xFFFFFFFF  }
0xa5: {  	s26 =	simm.s32 $execute0_lowered;
	[smem:$0x3FD2] =	sst s25  }
0xa6: {  	s4 =	sshll.u32 s26, $0x1;
	_ =	strace $0x80000049;
	[dreg:$0x1] =	wrdreg $0xFFFFFFFF  }
0xa7: {  	s28 =	simm.s32 $_size_execute0_lowered;
	s2 =	sadd.s32 s2, s4;
	[dreg:$0x0] =	wrdreg $0x0  }
0xa8: {  	s4 =	sshll.u32 s28, $0x1;
	[dreg:$0x2] =	wrdreg s2  }
0xa9: {  	[dreg:$0x3] =	wrdreg s4  }
0xaa: {  	[dreg:$0x4] =	wrdreg $0xC0  }
0xab: {  	_ =	task [dreg:s6], $0x5FFFF  }
0xac: {  	[dreg:$0x1] =	wrdreg $0xFFFFFFFF  }
0xad: {  	[dreg:$0x0] =	wrdreg $0x60  }
0xae: {  	[dreg:$0x2] =	wrdreg s24  }
0xaf: {  	[dreg:$0x3] =	wrdreg $0x6AC00  }
0xb0: {  	[dreg:$0x4] =	wrdreg $0x72280  }
0xb1: {  	[dreg:$0x5] =	wrdreg $0x9  }
0xb2: {  	_ =	task.clear_ibuf [dreg:s6], $0x6FFFF;
	_ =	strace $0x90000049  }
0xb3: {  	s29 =	simm.s32 $0x9;
	_ =	strace $0x8000004B  }
0xb4: {  	_ =	swait.ge [sflag:s29], $0x1  }
0xb5: {  	[sflag:s29] =	ssyncadd.s32 $0xFFFFFFFF  }
0xb6: {  	_ =	strace $0x9000004B  }
0xb7: {  	_ =	sfence  }
0xb8: {  	s30 =	sld [smem:$0x0];
	_ =	sdelay $0x2  }
0xb9: {  	s31 =	sshll.u32 s1, $0xD;
	s1 =	sshrl.u32 s1, $0x2  }
0xba: {  	s3 =	sand.u32 $0x4000, s31;
	s1 =	sadd.s32 s1, s30  }
0xbb: {  	s0 =	sor.u32 s3, s0;
	s1 =	sshll.u32 s1, $0x11  }
0xbc: {  	s0 =	sor.u32 s1, s0  }
0xbd: {  	s0 =	sadd.s32 $0x8F2B, s0  }
0xbe: {  	[sflag:s0] =	ssyncadd.remote.s32 $0x1  }
0xbf: {  	_ =	sfence.sel $0xFFFF  }
0xc0: {  	[dreg:$0x0] =	wrdreg $0xFFFFFFFF;
	(pc) =	sbr.abs _section_cstart, $3  }
0xc1: {  	[dreg:$0x1] =	wrdreg $0xFFFFFFFF  }
0xc2: {  	_ =	task.clear_ibuf [dreg:s6], $0x2FFFF;
	_ =	strace $0x9FFFFFFF  }
0xc3: {  	(tm) =	ssettm $0x7FFFFFFF  }
tec
execute0_lowered:
.L_overlay_start_1:
0x0: {  	(tag) =	ssettag $0x1  }
0x1: {  	s6 =	rddreg [dreg:$0x0]  }
0x2: {  	s0 =	srdreg.scid;
	s2 =	rddreg [dreg:$0x1]  }
0x3: {  	s3 =	rddreg [dreg:$0x2];
	s4 =	simm.s32 $0x0;
	s14 =	simm.s32 $0x2780  }
0x4: {  	s15 =	simm.s32 $0x5700;
	s16 =	simm.s32 $0x80;
	s17 =	simm.s32 $0x4F00  }
0x5: {  	s18 =	simm.s32 $0x1;
	s19 =	simm.s32 $0x5300;
	s20 =	simm.s32 $0x2  }
0x6: {  	s21 =	simm.s32 $0x4E80;
	s5 =	sand.u32 $0x1, s0;
	s0 =	stileid.u32  }
0x7: {  	s22 =	simm.s32 $0x0;
	s1 =	sshll.u32 s5, $0x4;
	s10 =	smul.u32 $0x13C0, s0  }
0x8: {  	s8 =	smul.u32 $0x13C00, s5;
	s5 =	ssub.s32 $0x2, s5;
	s1 =	sor.u32 s0, s1  }
0x9: {  	[smem:$0x7FF] =	sst s4;
	s11 =	sshrl.u32 s5, $0x1;
	s7 =	smul.u32 $0x4F0, s1  }
0xa: {  	s1 =	rddreg [dreg:$0x3];
	_ =	strace $0x8000004A;
	s8 =	sadd.s32 s10, s8  }
0xb: {  	s9 =	sshrl.u32 s10, $0x3;
	s13 =	ssub.s32 s5, s11;
	s8 =	sshrl.u32 s8, $0x3  }
0xc: {  	s9 =	sadd.s32 s9, s6;
	s7 =	sadd.s32 s7, s6;
	s12 =	sadd.s32 s8, s6  }
0xd: {  	s8 =	sadd.s32 s10, s2;
	s10 =	sadd.s32 s10, s3;
	s5 =	sadd.s32 $0x12A00, s7  }
0xe: {  	s6 =	sadd.s32 $0x3C00, s7;
	s7 =	sadd.s32 $0x1C800, s9;
	s9 =	sadd.s32 $0x1400, s9  }
0xf: {  	s11 =	sadd.s32 $0xDA00, s12;
	s12 =	smax.u32 s13, $0x1;
	s13 =	simm.s32 $0x3  }
.LBB2_1:
0x10: {  	[tilespmem:s4], [sflag:$0x3] =	stream.linear.gather [hbm4b:s5+s4], $0x2780, $0x38;
	[tilespmem:$0x7990] =	vst v63  }
0x11: {  	_ =	swait.ge [sflag:s13], $0x2780  }
0x12: {  	[sflag:s13] =	ssyncset.done $0x0  }
0x13: {  	[sflag:s13] =	ssyncadd.s32 $0xFFFFD880  }
0x14: {  	[tilespmem:s14], [sflag:$0x3] =	stream.linear.gather [hbm4b:s6+s4], $0x2780, $0x38;
	[tilespmem:$0x7990] =	vst v63  }
0x15: {  	_ =	swait.ge [sflag:s13], $0x2780  }
0x16: {  	[sflag:s13] =	ssyncset.done $0x0  }
0x17: {  	[sflag:s13] =	ssyncadd.s32 $0xFFFFD880  }
0x18: {  	[tilespmem:s15], [sflag:$0x3] =	stream.linear.gather [hbm4b:s7+s4], $0x13C0, $0x38;
	[tilespmem:$0x7990] =	vst v63  }
0x19: {  	_ =	swait.ge [sflag:s13], $0x13C0  }
0x1a: {  	[sflag:s13] =	ssyncset.done $0x0  }
0x1b: {  	[sflag:s13] =	ssyncadd.s32 $0xFFFFEC40  }
0x1c: {  	[spmem:s8] =	stream.linear.scatter [tilespmem:s15], [sflag:$0x3], $0x13C0, $0x38;
	[tilespmem:$0x7990] =	vst v63  }
0x1d: {  	_ =	swait.ge [sflag:s13], $0x13C0  }
0x1e: {  	[sflag:s13] =	ssyncset.done $0x0  }
0x1f: {  	[sflag:s13] =	ssyncadd.s32 $0xFFFFEC40  }
0x20: {  	[tilespmem:s15], [sflag:$0x3] =	stream.linear.gather [hbm4b:s9+s4], $0x13C0, $0x38;
	[tilespmem:$0x7990] =	vst v63  }
0x21: {  	_ =	swait.ge [sflag:s13], $0x13C0  }
0x22: {  	[sflag:s13] =	ssyncset.done $0x0  }
0x23: {  	[sflag:s13] =	ssyncadd.s32 $0xFFFFEC40  }
0x24: {  	[spmem:s10] =	stream.linear.scatter [tilespmem:s15], [sflag:$0x3], $0x13C0, $0x38;
	[tilespmem:$0x7990] =	vst v63  }
0x25: {  	_ =	swait.ge [sflag:s13], $0x13C0  }
0x26: {  	[sflag:s13] =	ssyncset.done $0x0  }
0x27: {  	[sflag:s13] =	ssyncadd.s32 $0xFFFFEC40  }
0x28: {  	[bflag:$0x0] =	sbarrier.arrive $0xFFFF  }
0x29: {  	[tilespmem:s17], [sflag:$0x1] =	stream.indirect.gather [spmem:s3], $0x3, s4, s16, $0xb8;
	[tilespmem:$0x7990] =	vst v63  }
0x2a: {  	_ =	swait.ge [sflag:s18], $0x180  }
0x2b: {  	[sflag:s18] =	ssyncset.done $0x0  }
0x2c: {  	s23 =	simm.s32 $0x80;
	[sflag:s18] =	ssyncadd.s32 $0xFFFFFE80  }
0x2d: {  	[tilespmem:s19], [sflag:$0x2] =	stream.indirect.gather [spmem:s3], $0x3, s23, s16, $0xb8;
	[tilespmem:$0x7990] =	vst v63  }
0x2e: {  	s29 =	simm.s32 $0x2780  }
0x2f: {  	[spmem:s2] =	stream.indirect.scatter.add.f32 [tilespmem:s17], [sflag:$0x3], $0x3, s29, s16, $0xb8;
	[tilespmem:$0x7990] =	vst v63  }
0x30: {  	_ =	swait.ge [sflag:s13], $0x180  }
0x31: {  	[sflag:s13] =	ssyncset.done $0x0  }
0x32: {  	[sflag:s13] =	ssyncadd.s32 $0xFFFFFE80  }
0x33: {  	_ =	swait.ge [sflag:s20], $0x180  }
0x34: {  	[sflag:s20] =	ssyncset.done $0x0  }
0x35: {  	s30 =	simm.s32 $0x100;
	[sflag:s20] =	ssyncadd.s32 $0xFFFFFE80  }
0x36: {  	[tilespmem:s17], [sflag:$0x1] =	stream.indirect.gather [spmem:s3], $0x3, s30, s16, $0xb8;
	[tilespmem:$0x7990] =	vst v63  }
0x37: {  	s31 =	simm.s32 $0x2800  }
0x38: {  	[spmem:s2] =	stream.indirect.scatter.add.f32 [tilespmem:s19], [sflag:$0x3], $0x3, s31, s16, $0xb8;
	[tilespmem:$0x7990] =	vst v63  }
0x39: {  	_ =	swait.ge [sflag:s13], $0x180  }
0x3a: {  	s23 =	simm.s32 $0x400;
	[sflag:s13] =	ssyncset.done $0x0  }
.LBB2_2:
0x3b: {  	p0 =	sne.s32 s23, $0x9800  }
0x3c: {  	[sflag:s13] =	ssyncadd.s32 $0xFFFFFE80;
	s24 =	smov.u32 s23;
	s23 =	sadd.s32 $0x400, s23  }
0x3d: {  	_ = 	snop  }
0x3e: {  	_ =	swait.ge [sflag:s18], $0x180  }
0x3f: {  	s24 =	sshra.s32 s24, $0x2;
	[sflag:s18] =	ssyncset.done $0x0  }
0x40: {  	s25 =	sadd.s32 $0x80, s24;
	[sflag:s18] =	ssyncadd.s32 $0xFFFFFE80  }
0x41: {  	[tilespmem:s19], [sflag:$0x2] =	stream.indirect.gather [spmem:s3], $0x3, s25, s16, $0xb8;
	[tilespmem:$0x7990] =	vst v63  }
0x42: {  	s25 =	sadd.s32 $0x2780, s24  }
0x43: {  	[spmem:s2] =	stream.indirect.scatter.add.f32 [tilespmem:s17], [sflag:$0x3], $0x3, s25, s16, $0xb8;
	[tilespmem:$0x7990] =	vst v63  }
0x44: {  	_ =	swait.ge [sflag:s13], $0x180  }
0x45: {  	[sflag:s13] =	ssyncset.done $0x0  }
0x46: {  	[sflag:s13] =	ssyncadd.s32 $0xFFFFFE80  }
0x47: {  	_ =	swait.ge [sflag:s20], $0x180  }
0x48: {  	[sflag:s20] =	ssyncset.done $0x0  }
0x49: {  	s25 =	sadd.s32 $0x100, s24;
	[sflag:s20] =	ssyncadd.s32 $0xFFFFFE80  }
0x4a: {  	[tilespmem:s17], [sflag:$0x1] =	stream.indirect.gather [spmem:s3], $0x3, s25, s16, $0xb8;
	[tilespmem:$0x7990] =	vst v63  }
.Ltmp0:
0x4b: {  	_ = 	snop;
	(pc) =	sbr.rel @p0 .LBB2_2-.Ltmp0, $4  }
0x4c: {  	s24 =	sadd.s32 $0x2800, s24  }
0x4d: {  	[spmem:s2] =	stream.indirect.scatter.add.f32 [tilespmem:s19], [sflag:$0x3], $0x3, s24, s16, $0xb8;
	[tilespmem:$0x7990] =	vst v63  }
0x4e: {  	_ =	swait.ge [sflag:s13], $0x180  }
0x4f: {  	[sflag:s13] =	ssyncset.done $0x0  }
0x50: {  	[sflag:s13] =	ssyncadd.s32 $0xFFFFFE80  }
0x51: {  	_ =	swait.ge [sflag:s18], $0x180  }
0x52: {  	[sflag:s18] =	ssyncset.done $0x0  }
0x53: {  	[sflag:s18] =	ssyncadd.s32 $0xFFFFFE80  }
0x54: {  	[spmem:s2] =	stream.indirect.scatter.add.f32 [tilespmem:s17], [sflag:$0x3], $0x3, s21, s16, $0xb8;
	[tilespmem:$0x7990] =	vst v63  }
0x55: {  	_ =	swait.ge [sflag:s13], $0x180  }
0x56: {  	[sflag:s13] =	ssyncset.done $0x0  }
0x57: {  	[sflag:s13] =	ssyncadd.s32 $0xFFFFFE80  }
0x58: {  	[bflag:$0x0] =	sbarrier.arrive $0xFFFF  }
0x59: {  	[tilespmem:s15], [sflag:$0x3] =	stream.linear.gather [spmem:s8], $0x13C0, $0x38;
	[tilespmem:$0x7990] =	vst v63  }
0x5a: {  	s22 =	sadd.s32 $0x1, s22;
	_ =	swait.ge [sflag:s13], $0x13C0  }
0x5b: {  	p0 =	sne.s32 s22, s12;
	[sflag:s13] =	ssyncset.done $0x0  }
.Ltmp1:
0x5c: {  	[sflag:s13] =	ssyncadd.s32 $0xFFFFEC40;
	(pc) =	sbr.rel @p0 .LBB2_1-.Ltmp1, $4  }
0x5d: {  	[hbm4b:s11+s4] =	stream.linear.scatter [tilespmem:s15], [sflag:$0x3], $0x13C0, $0x38;
	[tilespmem:$0x7990] =	vst v63  }
0x5e: {  	_ =	swait.ge [sflag:s13], $0x13C0  }
0x5f: {  	[sflag:s13] =	ssyncset.done $0x0  }
0x60: {  	[sflag:s13] =	ssyncadd.s32 $0xFFFFEC40  }
0x61: {  	_ =	sfence.sel $0x180000  }
0x62: {  	[bflag:$0x0] =	sbarrier.arrive $0xFFFF  }
0x63: {  	p0 =	sne.s32 s0, $0x0;
	_ =	strace $0x9000004A  }
0x64: {  	s0 =	sadd.s32 @!p0 $0x100000, s1;
	[bflag:$0x2] =	sbarrier.arrive $0xFFFF  }
0x65: {  	[sflag:s0] =	ssyncadd.tile.s32 @!p0 $0x1;
	_ =	shalt  }
.Lfunc_end2:
_tile_overlayer_lowered:
.L_overlay_start_2:
0x66: {  	(tag) =	ssettag $0x2  }
0x67: {  	s0 =	rddreg [dreg:$0x0];
	s2 =	stileid.u32  }
0x68: {  	s1 =	rddreg [dreg:$0x1];
	p0 =	sne.s32 s2, $0x0  }
0x69: {  	s3 =	rddreg [dreg:$0x2];
	[bflag:$0x3] =	sbarrier.arrive $0xFFFF;
	s2 =	simm.s32 @!p0 $0x1C03  }
0x6a: {  	[timem:s3], [sflag:s2] =	dma.local @!p0 [hbm:s0], s1  }
0x6b: {  	s0 =	simm.s32 @!p0 $0x3  }
0x6c: {  	_ =	swait.ge @!p0 [sflag:s0], s1  }
0x6d: {  	s1 =	ssub.s32 @!p0 $0x0, s1;
	[sflag:s0] =	ssyncset.done @!p0 $0x0  }
0x6e: {  	[sflag:s0] =	ssyncadd.s32 @!p0 s1  }
0x6f: {  	[bflag:$0x3] =	sbarrier.arrive $0xFFFF  }
0x70: {  	_ =	shalt  }

</sc_bundles>
